<compile_context>
chip_gen: v7x
topology: tpu7x:2x2x1
jax: 0.10.2.dev20260603
libtpu: 0.0.44.dev20260713+nightly
codegen_flags: <defaults>
</compile_context>

<pallas_src>
import functools

import jax
import jax.numpy as jnp
from jax import lax
from jax.experimental import pallas as pl
from jax.experimental.pallas import tpu as pltpu
from jax.experimental.pallas import tpu_sc as plsc

BATCH = 4096
SEQLEN = 200
NUM_HID = 64
NC = 2
NS = 16
NW = NC * NS
BB = BATCH // 128
LANES = 16
HID_VECS = NUM_HID // LANES
SI = SEQLEN // 8


def _make_kernel():
    mesh = plsc.VectorSubcoreMesh(core_axis_name="c", subcore_axis_name="s")

    @functools.partial(
        pl.kernel,
        out_type=jax.ShapeDtypeStruct((SEQLEN, 8, BB, 8, 128), jnp.float32),
        mesh=mesh,
        scratch_types=[
            pltpu.VMEM((SI, 8, 128), jnp.int32),
            pltpu.VMEM((SEQLEN, NUM_HID), jnp.float32),
            pltpu.VMEM((128, NUM_HID), jnp.float32),
            pltpu.VMEM((128, NUM_HID), jnp.float32),
            pltpu.VMEM((8, 8, 129), jnp.float32),
            pltpu.VMEM((8, 8, 129), jnp.float32),
            pltpu.SemaphoreType.DMA,
            pltpu.SemaphoreType.DMA,
            pltpu.SemaphoreType.DMA,
        ],
        compiler_params=pltpu.CompilerParams(
            use_tc_tiling_on_sc=False, needs_layout_passes=False),
    )
    def k(x4_hbm, emb_hbm, pos_hbm, out_hbm, idx_all, pos_v, tok_a, tok_b,
          st_a, st_b, gsem, osem_a, osem_b):
        w = lax.axis_index("s") * NC + lax.axis_index("c")
        pltpu.sync_copy(x4_hbm.at[:, w], idx_all)
        pltpu.sync_copy(pos_hbm, pos_v)

        iota = lax.iota(jnp.int32, 16)
        hh_k = [iota // 8 + 2 * kk for kk in range(HID_VECS)]
        hl_base = iota % 8
        zeros = iota * 0

        def start_gather(s, tok):
            return pltpu.async_copy(
                emb_hbm.at[idx_all.at[s // 8, s % 8]], tok, gsem)

        def wait_gather(tok):
            pltpu.make_async_copy(
                emb_hbm.at[idx_all.at[0, 0]], tok, gsem).wait()

        def fire_outs(s, st, osem):
            pltpu.async_copy(st.at[:, :, pl.ds(0, 128)],
                             out_hbm.at[s, :, w], osem)

        def wait_outs(st, osem):
            pltpu.make_async_copy(st.at[:, :, pl.ds(0, 128)],
                                  out_hbm.at[0, :, w], osem).wait()

        def compute(s, tok, st):
            posr = [pos_v[s, pl.ds(kk * LANES, LANES)]
                    for kk in range(HID_VECS)]

            @plsc.parallel_loop(0, 128, step=1, unroll=8)
            def tok_body(t):
                col = zeros + t
                for kk in range(HID_VECS):
                    v = tok[t, pl.ds(kk * LANES, LANES)] + posr[kk]
                    plsc.store_scatter(st, [hh_k[kk], hl_base, col], v)

        start_gather(0, tok_a)

        def body(j2, carry):
            s0 = 2 * j2
            s1 = s0 + 1
            wait_gather(tok_a)
            start_gather(s1, tok_b)

            @pl.when(j2 > 0)
            def _():
                wait_outs(st_a, osem_a)

            compute(s0, tok_a, st_a)
            fire_outs(s0, st_a, osem_a)

            wait_gather(tok_b)

            @pl.when(j2 < SEQLEN // 2 - 1)
            def _():
                start_gather(s0 + 2, tok_a)

            @pl.when(j2 > 0)
            def _():
                wait_outs(st_b, osem_b)

            compute(s1, tok_b, st_b)
            fire_outs(s1, st_b, osem_b)
            return carry

        lax.fori_loop(0, SEQLEN // 2, body, 0)
        wait_outs(st_a, osem_a)
        wait_outs(st_b, osem_b)

    return k


_kernel_call = _make_kernel()


def kernel(x, emb_table, pos_table):
    x4 = x.T.reshape(SI, 8, BB, 128).transpose(0, 2, 1, 3)
    out5 = _kernel_call(x4, emb_table, pos_table)
    return (out5.transpose(2, 4, 0, 1, 3)
            .reshape(BATCH, SEQLEN, NUM_HID))

# --- scband reference (transcript-rebuilt; emitter-appended) ---
"""Pipeline reference for scband-transformer-input-66348654789084 (READ-ONLY COPY).

The authoritative reference and input builder live on the scoring server;
editing this copy changes nothing except your own understanding.
"""

import jax, jax.numpy as jnp
import numpy as np

NUM_VOCAB = 100000
NUM_HID = 64
MAXLEN = 200
BATCH = 4096
SEQLEN = 200

def setup_inputs(seed: int = 0) -> dict:
    key = jax.random.key(seed)
    k1, k2, k3 = jax.random.split(key, 3)
    x = jax.random.randint(k1, (BATCH, SEQLEN), 0, NUM_VOCAB, dtype=jnp.int64 if jax.config.jax_enable_x64 else jnp.int32)
    emb_table = jax.random.normal(k2, (NUM_VOCAB, NUM_HID), dtype=jnp.float32) * 0.05
    pos_table = jax.random.normal(k3, (MAXLEN, NUM_HID), dtype=jnp.float32) * 0.05
    return {"x": x, "emb_table": emb_table, "pos_table": pos_table}

def reference(x, emb_table, pos_table):
    # token embedding lookup (gather)
    tok = jnp.take(emb_table, x, axis=0)  # [B, S, H]
    seqlen = x.shape[-1]
    positions = jnp.arange(seqlen)
    pos = jnp.take(pos_table, positions, axis=0)  # [S, H]
    return tok + pos[None, :, :]

if __name__ == "__main__":
    import jax
    _d = setup_inputs()
    print(jax.jit(kernel)(*tuple(_d.values())))

</pallas_src>

<mosaic_0001>
#map = affine_map<(d0, d1) -> (0, 0, 0, 0)>
#map1 = affine_map<(d0, d1) -> (0, 0)>
#map2 = affine_map<(d0, d1) -> (0, 0, 0, 0, 0)>
module attributes {stable_mosaic.version = 14 : i64} {
  func.func @k(%arg0: i32, %arg1: i32, %arg2: memref<25x32x8x128xi32, #tpu.memory_space<hbm>>, %arg3: memref<100000x64xf32, #tpu.memory_space<hbm>>, %arg4: memref<200x64xf32, #tpu.memory_space<hbm>>, %arg5: memref<200x8x32x8x128xf32, #tpu.memory_space<hbm>>, %arg6: memref<25x8x128xi32, #tpu.memory_space<vmem>>, %arg7: memref<200x64xf32, #tpu.memory_space<vmem>>, %arg8: memref<128x64xf32, #tpu.memory_space<vmem>>, %arg9: memref<128x64xf32, #tpu.memory_space<vmem>>, %arg10: memref<8x8x129xf32, #tpu.memory_space<vmem>>, %arg11: memref<8x8x129xf32, #tpu.memory_space<vmem>>, %arg12: memref<!tpu.dma_semaphore, #tpu.memory_space<semaphore_mem>>, %arg13: memref<!tpu.dma_semaphore, #tpu.memory_space<semaphore_mem>>, %arg14: memref<!tpu.dma_semaphore, #tpu.memory_space<semaphore_mem>>) attributes {dimension_semantics = [#tpu.dimension_semantics<core_parallel>, #tpu.dimension_semantics<subcore_parallel>], iteration_bounds = array<i64: 2, 16>, scalar_prefetch = 0 : i64, scratch_operands = 9 : i64, tpu.core_type = #tpu.core_type<sc_vector_subcore>, window_params = [{transform_indices = #map}, {transform_indices = #map1}, {transform_indices = #map1}, {transform_indices = #map2}]} {
    %mul3A = arith.constant 2 : i32
    %mul3A_0 = arith.muli %arg1, %mul3A : i32
    %add3A = arith.addi %mul3A_0, %arg0 : i32
    "tpu.region"() ({
      %run_scoped3A = tpu.sem_alloc : memref<!tpu.dma_semaphore, #tpu.memory_space<semaphore_mem>>
      %dma_start3A_201 = arith.constant 0 : i32
      %dma_start3A_202 = arith.constant 0 : i32
      %dma_start3A_203 = arith.constant 0 : i32
      %dma_start3A_204 = tpu.memref_slice %arg2[%dma_start3A_201, %add3A, %dma_start3A_202, %dma_start3A_203] : memref<25x32x8x128xi32, #tpu.memory_space<hbm>> -> memref<25x1x8x128xi32, #tpu.memory_space<hbm>>
      %dma_start3A_205 = tpu.memref_squeeze %dma_start3A_204 : memref<25x1x8x128xi32, #tpu.memory_space<hbm>> -> memref<25x8x128xi32, #tpu.memory_space<hbm>>
      %dma_start3A_206 = arith.constant 0 : i32
      %dma_start3A_207 = arith.constant 0 : i32
      %dma_start3A_208 = arith.constant 0 : i32
      %dma_start3A_209 = tpu.memref_slice %arg2[%dma_start3A_206, %add3A, %dma_start3A_207, %dma_start3A_208] : memref<25x32x8x128xi32, #tpu.memory_space<hbm>> -> memref<25x1x8x128xi32, #tpu.memory_space<hbm>>
      %dma_start3A_210 = tpu.memref_squeeze %dma_start3A_209 : memref<25x1x8x128xi32, #tpu.memory_space<hbm>> -> memref<25x8x128xi32, #tpu.memory_space<hbm>>
      tpu.enqueue_dma source(%dma_start3A_210 : memref<25x8x128xi32, #tpu.memory_space<hbm>>) target(%arg6 : memref<25x8x128xi32, #tpu.memory_space<vmem>>) target_semaphore(%run_scoped3A : memref<!tpu.dma_semaphore, #tpu.memory_space<semaphore_mem>>)
      %dma_wait3A_211 = arith.constant 0 : i32
      %dma_wait3A_212 = arith.constant 0 : i32
      %dma_wait3A_213 = arith.constant 0 : i32
      %dma_wait3A_214 = tpu.memref_slice %arg2[%dma_wait3A_211, %add3A, %dma_wait3A_212, %dma_wait3A_213] : memref<25x32x8x128xi32, #tpu.memory_space<hbm>> -> memref<25x1x8x128xi32, #tpu.memory_space<hbm>>
      %dma_wait3A_215 = tpu.memref_squeeze %dma_wait3A_214 : memref<25x1x8x128xi32, #tpu.memory_space<hbm>> -> memref<25x8x128xi32, #tpu.memory_space<hbm>>
      %dma_wait3A_216 = arith.constant 0 : i32
      %dma_wait3A_217 = arith.constant 0 : i32
      %dma_wait3A_218 = arith.constant 0 : i32
      %dma_wait3A_219 = tpu.memref_slice %arg2[%dma_wait3A_216, %add3A, %dma_wait3A_217, %dma_wait3A_218] : memref<25x32x8x128xi32, #tpu.memory_space<hbm>> -> memref<25x1x8x128xi32, #tpu.memory_space<hbm>>
      %dma_wait3A_220 = tpu.memref_squeeze %dma_wait3A_219 : memref<25x1x8x128xi32, #tpu.memory_space<hbm>> -> memref<25x8x128xi32, #tpu.memory_space<hbm>>
      tpu.wait_dma2 semaphore(%run_scoped3A : memref<!tpu.dma_semaphore, #tpu.memory_space<semaphore_mem>>) src(%dma_wait3A_220 : memref<25x8x128xi32, #tpu.memory_space<hbm>>) dst(%arg6 : memref<25x8x128xi32, #tpu.memory_space<vmem>>)
      tpu.yield
    }) : () -> ()
    "tpu.region"() ({
      %run_scoped3A = tpu.sem_alloc : memref<!tpu.dma_semaphore, #tpu.memory_space<semaphore_mem>>
      tpu.enqueue_dma source(%arg4 : memref<200x64xf32, #tpu.memory_space<hbm>>) target(%arg7 : memref<200x64xf32, #tpu.memory_space<vmem>>) target_semaphore(%run_scoped3A : memref<!tpu.dma_semaphore, #tpu.memory_space<semaphore_mem>>)
      tpu.wait_dma2 semaphore(%run_scoped3A : memref<!tpu.dma_semaphore, #tpu.memory_space<semaphore_mem>>) src(%arg4 : memref<200x64xf32, #tpu.memory_space<hbm>>) dst(%arg7 : memref<200x64xf32, #tpu.memory_space<vmem>>)
      tpu.yield
    }) : () -> ()
    %iota3A = tpu.iota {dimensions = array<i32: 0>} : vector<16xi32>
    %jit3A = arith.constant 8 : i32
    %div3A = vector.broadcast %jit3A : i32 to vector<16xi32>
    %div3A_1 = arith.divsi %iota3A, %div3A : vector<16xi32>
    %sign3A = arith.constant 0 : i32
    %sign3A_2 = vector.broadcast %sign3A : i32 to vector<16xi32>
    %sign3A_3 = arith.cmpi sgt, %iota3A, %sign3A_2 : vector<16xi32>
    %sign3A_4 = arith.extui %sign3A_3 : vector<16xi1> to vector<16xi32>
    %sign3A_5 = arith.constant 0 : i32
    %sign3A_6 = vector.broadcast %sign3A_5 : i32 to vector<16xi32>
    %sign3A_7 = arith.cmpi slt, %iota3A, %sign3A_6 : vector<16xi32>
    %sign3A_8 = arith.extui %sign3A_7 : vector<16xi1> to vector<16xi32>
    %sign3A_9 = arith.subi %sign3A_4, %sign3A_8 : vector<16xi32>
    %sign3A_10 = arith.constant 0 : i32
    %sign3A_11 = arith.cmpi sgt, %jit3A, %sign3A_10 : i32
    %sign3A_12 = arith.extui %sign3A_11 : i1 to i32
    %sign3A_13 = arith.constant 0 : i32
    %sign3A_14 = arith.cmpi slt, %jit3A, %sign3A_13 : i32
    %sign3A_15 = arith.extui %sign3A_14 : i1 to i32
    %sign3A_16 = arith.subi %sign3A_12, %sign3A_15 : i32
    %ne3A = vector.broadcast %sign3A_16 : i32 to vector<16xi32>
    %ne3A_17 = arith.cmpi ne, %sign3A_9, %ne3A : vector<16xi32>
    %rem3A = vector.broadcast %jit3A : i32 to vector<16xi32>
    %rem3A_18 = arith.remsi %iota3A, %rem3A : vector<16xi32>
    %ne3A_19 = arith.constant 0 : i32
    %ne3A_20 = vector.broadcast %ne3A_19 : i32 to vector<16xi32>
    %ne3A_21 = arith.cmpi ne, %rem3A_18, %ne3A_20 : vector<16xi32>
    %and3A = arith.andi %ne3A_17, %ne3A_21 : vector<16xi1>
    %sub3A = arith.constant 1 : i32
    %sub3A_22 = vector.broadcast %sub3A : i32 to vector<16xi32>
    %sub3A_23 = arith.subi %div3A_1, %sub3A_22 : vector<16xi32>
    %select_n3A = arith.select %and3A, %sub3A_23, %div3A_1 : vector<16xi1>, vector<16xi32>
    %add3A_24 = arith.constant 0 : i32
    %add3A_25 = vector.broadcast %add3A_24 : i32 to vector<16xi32>
    %add3A_26 = arith.addi %select_n3A, %add3A_25 : vector<16xi32>
    %jit3A_27 = arith.constant 8 : i32
    %div3A_28 = vector.broadcast %jit3A_27 : i32 to vector<16xi32>
    %div3A_29 = arith.divsi %iota3A, %div3A_28 : vector<16xi32>
    %sign3A_30 = arith.constant 0 : i32
    %sign3A_31 = vector.broadcast %sign3A_30 : i32 to vector<16xi32>
    %sign3A_32 = arith.cmpi sgt, %iota3A, %sign3A_31 : vector<16xi32>
    %sign3A_33 = arith.extui %sign3A_32 : vector<16xi1> to vector<16xi32>
    %sign3A_34 = arith.constant 0 : i32
    %sign3A_35 = vector.broadcast %sign3A_34 : i32 to vector<16xi32>
    %sign3A_36 = arith.cmpi slt, %iota3A, %sign3A_35 : vector<16xi32>
    %sign3A_37 = arith.extui %sign3A_36 : vector<16xi1> to vector<16xi32>
    %sign3A_38 = arith.subi %sign3A_33, %sign3A_37 : vector<16xi32>
    %sign3A_39 = arith.constant 0 : i32
    %sign3A_40 = arith.cmpi sgt, %jit3A_27, %sign3A_39 : i32
    %sign3A_41 = arith.extui %sign3A_40 : i1 to i32
    %sign3A_42 = arith.constant 0 : i32
    %sign3A_43 = arith.cmpi slt, %jit3A_27, %sign3A_42 : i32
    %sign3A_44 = arith.extui %sign3A_43 : i1 to i32
    %sign3A_45 = arith.subi %sign3A_41, %sign3A_44 : i32
    %ne3A_46 = vector.broadcast %sign3A_45 : i32 to vector<16xi32>
    %ne3A_47 = arith.cmpi ne, %sign3A_38, %ne3A_46 : vector<16xi32>
    %rem3A_48 = vector.broadcast %jit3A_27 : i32 to vector<16xi32>
    %rem3A_49 = arith.remsi %iota3A, %rem3A_48 : vector<16xi32>
    %ne3A_50 = arith.constant 0 : i32
    %ne3A_51 = vector.broadcast %ne3A_50 : i32 to vector<16xi32>
    %ne3A_52 = arith.cmpi ne, %rem3A_49, %ne3A_51 : vector<16xi32>
    %and3A_53 = arith.andi %ne3A_47, %ne3A_52 : vector<16xi1>
    %sub3A_54 = arith.constant 1 : i32
    %sub3A_55 = vector.broadcast %sub3A_54 : i32 to vector<16xi32>
    %sub3A_56 = arith.subi %div3A_29, %sub3A_55 : vector<16xi32>
    %select_n3A_57 = arith.select %and3A_53, %sub3A_56, %div3A_29 : vector<16xi1>, vector<16xi32>
    %add3A_58 = arith.constant 2 : i32
    %add3A_59 = vector.broadcast %add3A_58 : i32 to vector<16xi32>
    %add3A_60 = arith.addi %select_n3A_57, %add3A_59 : vector<16xi32>
    %jit3A_61 = arith.constant 8 : i32
    %div3A_62 = vector.broadcast %jit3A_61 : i32 to vector<16xi32>
    %div3A_63 = arith.divsi %iota3A, %div3A_62 : vector<16xi32>
    %sign3A_64 = arith.constant 0 : i32
    %sign3A_65 = vector.broadcast %sign3A_64 : i32 to vector<16xi32>
    %sign3A_66 = arith.cmpi sgt, %iota3A, %sign3A_65 : vector<16xi32>
    %sign3A_67 = arith.extui %sign3A_66 : vector<16xi1> to vector<16xi32>
    %sign3A_68 = arith.constant 0 : i32
    %sign3A_69 = vector.broadcast %sign3A_68 : i32 to vector<16xi32>
    %sign3A_70 = arith.cmpi slt, %iota3A, %sign3A_69 : vector<16xi32>
    %sign3A_71 = arith.extui %sign3A_70 : vector<16xi1> to vector<16xi32>
    %sign3A_72 = arith.subi %sign3A_67, %sign3A_71 : vector<16xi32>
    %sign3A_73 = arith.constant 0 : i32
    %sign3A_74 = arith.cmpi sgt, %jit3A_61, %sign3A_73 : i32
    %sign3A_75 = arith.extui %sign3A_74 : i1 to i32
    %sign3A_76 = arith.constant 0 : i32
    %sign3A_77 = arith.cmpi slt, %jit3A_61, %sign3A_76 : i32
    %sign3A_78 = arith.extui %sign3A_77 : i1 to i32
    %sign3A_79 = arith.subi %sign3A_75, %sign3A_78 : i32
    %ne3A_80 = vector.broadcast %sign3A_79 : i32 to vector<16xi32>
    %ne3A_81 = arith.cmpi ne, %sign3A_72, %ne3A_80 : vector<16xi32>
    %rem3A_82 = vector.broadcast %jit3A_61 : i32 to vector<16xi32>
    %rem3A_83 = arith.remsi %iota3A, %rem3A_82 : vector<16xi32>
    %ne3A_84 = arith.constant 0 : i32
    %ne3A_85 = vector.broadcast %ne3A_84 : i32 to vector<16xi32>
    %ne3A_86 = arith.cmpi ne, %rem3A_83, %ne3A_85 : vector<16xi32>
    %and3A_87 = arith.andi %ne3A_81, %ne3A_86 : vector<16xi1>
    %sub3A_88 = arith.constant 1 : i32
    %sub3A_89 = vector.broadcast %sub3A_88 : i32 to vector<16xi32>
    %sub3A_90 = arith.subi %div3A_63, %sub3A_89 : vector<16xi32>
    %select_n3A_91 = arith.select %and3A_87, %sub3A_90, %div3A_63 : vector<16xi1>, vector<16xi32>
    %add3A_92 = arith.constant 4 : i32
    %add3A_93 = vector.broadcast %add3A_92 : i32 to vector<16xi32>
    %add3A_94 = arith.addi %select_n3A_91, %add3A_93 : vector<16xi32>
    %jit3A_95 = arith.constant 8 : i32
    %div3A_96 = vector.broadcast %jit3A_95 : i32 to vector<16xi32>
    %div3A_97 = arith.divsi %iota3A, %div3A_96 : vector<16xi32>
    %sign3A_98 = arith.constant 0 : i32
    %sign3A_99 = vector.broadcast %sign3A_98 : i32 to vector<16xi32>
    %sign3A_100 = arith.cmpi sgt, %iota3A, %sign3A_99 : vector<16xi32>
    %sign3A_101 = arith.extui %sign3A_100 : vector<16xi1> to vector<16xi32>
    %sign3A_102 = arith.constant 0 : i32
    %sign3A_103 = vector.broadcast %sign3A_102 : i32 to vector<16xi32>
    %sign3A_104 = arith.cmpi slt, %iota3A, %sign3A_103 : vector<16xi32>
    %sign3A_105 = arith.extui %sign3A_104 : vector<16xi1> to vector<16xi32>
    %sign3A_106 = arith.subi %sign3A_101, %sign3A_105 : vector<16xi32>
    %sign3A_107 = arith.constant 0 : i32
    %sign3A_108 = arith.cmpi sgt, %jit3A_95, %sign3A_107 : i32
    %sign3A_109 = arith.extui %sign3A_108 : i1 to i32
    %sign3A_110 = arith.constant 0 : i32
    %sign3A_111 = arith.cmpi slt, %jit3A_95, %sign3A_110 : i32
    %sign3A_112 = arith.extui %sign3A_111 : i1 to i32
    %sign3A_113 = arith.subi %sign3A_109, %sign3A_112 : i32
    %ne3A_114 = vector.broadcast %sign3A_113 : i32 to vector<16xi32>
    %ne3A_115 = arith.cmpi ne, %sign3A_106, %ne3A_114 : vector<16xi32>
    %rem3A_116 = vector.broadcast %jit3A_95 : i32 to vector<16xi32>
    %rem3A_117 = arith.remsi %iota3A, %rem3A_116 : vector<16xi32>
    %ne3A_118 = arith.constant 0 : i32
    %ne3A_119 = vector.broadcast %ne3A_118 : i32 to vector<16xi32>
    %ne3A_120 = arith.cmpi ne, %rem3A_117, %ne3A_119 : vector<16xi32>
    %and3A_121 = arith.andi %ne3A_115, %ne3A_120 : vector<16xi1>
    %sub3A_122 = arith.constant 1 : i32
    %sub3A_123 = vector.broadcast %sub3A_122 : i32 to vector<16xi32>
    %sub3A_124 = arith.subi %div3A_97, %sub3A_123 : vector<16xi32>
    %select_n3A_125 = arith.select %and3A_121, %sub3A_124, %div3A_97 : vector<16xi1>, vector<16xi32>
    %add3A_126 = arith.constant 6 : i32
    %add3A_127 = vector.broadcast %add3A_126 : i32 to vector<16xi32>
    %add3A_128 = arith.addi %select_n3A_125, %add3A_127 : vector<16xi32>
    %jit3A_129 = arith.constant 8 : i32
    %eq3A = arith.constant 0 : i32
    %eq3A_130 = arith.cmpi eq, %jit3A_129, %eq3A : i32
    %jit3A_131 = arith.constant 1 : i32
    %select_n3A_132 = arith.select %eq3A_130, %jit3A_131, %jit3A_129 : i32
    %rem3A_133 = vector.broadcast %select_n3A_132 : i32 to vector<16xi32>
    %rem3A_134 = arith.remsi %iota3A, %rem3A_133 : vector<16xi32>
    %ne3A_135 = arith.constant 0 : i32
    %ne3A_136 = vector.broadcast %ne3A_135 : i32 to vector<16xi32>
    %ne3A_137 = arith.cmpi ne, %rem3A_134, %ne3A_136 : vector<16xi32>
    %lt3A = arith.constant 0 : i32
    %lt3A_138 = vector.broadcast %lt3A : i32 to vector<16xi32>
    %lt3A_139 = arith.cmpi slt, %rem3A_134, %lt3A_138 : vector<16xi32>
    %lt3A_140 = arith.constant 0 : i32
    %lt3A_141 = arith.cmpi slt, %select_n3A_132, %lt3A_140 : i32
    %ne3A_142 = vector.broadcast %lt3A_141 : i1 to vector<16xi1>
    %ne3A_143 = vector.broadcast %ne3A_142 : vector<16xi1> to vector<16xi1>
    %ne3A_144 = arith.xori %lt3A_139, %ne3A_143 : vector<16xi1>
    %and3A_145 = arith.andi %ne3A_144, %ne3A_137 : vector<16xi1>
    %add3A_146 = vector.broadcast %select_n3A_132 : i32 to vector<16xi32>
    %add3A_147 = arith.addi %rem3A_134, %add3A_146 : vector<16xi32>
    %select_n3A_148 = arith.select %and3A_145, %add3A_147, %rem3A_134 : vector<16xi1>, vector<16xi32>
    %mul3A_149 = arith.constant 0 : i32
    %mul3A_150 = vector.broadcast %mul3A_149 : i32 to vector<16xi32>
    %mul3A_151 = arith.muli %iota3A, %mul3A_150 : vector<16xi32>
    %dma_start3A = arith.constant 0 : i32
    %dma_start3A_152 = arith.constant 0 : i32
    %dma_start3A_153 = arith.constant 0 : i32
    %dma_start3A_154 = tpu.memref_slice %arg6[%dma_start3A, %dma_start3A_152, %dma_start3A_153] : memref<25x8x128xi32, #tpu.memory_space<vmem>> -> memref<1x1x128xi32, #tpu.memory_space<vmem>>
    %dma_start3A_155 = tpu.memref_squeeze %dma_start3A_154 : memref<1x1x128xi32, #tpu.memory_space<vmem>> -> memref<128xi32, #tpu.memory_space<vmem>>
    %dma_start3A_156 = arith.constant 0 : i32
    %dma_start3A_157 = arith.constant 0 : i32
    %dma_start3A_158 = tpu.memref_slice %arg3[%dma_start3A_156, %dma_start3A_157] : memref<100000x64xf32, #tpu.memory_space<hbm>> -> memref<100000x64xf32, #tpu.memory_space<hbm>>
    tpu.enqueue_indirect_dma source(%dma_start3A_158 : memref<100000x64xf32, #tpu.memory_space<hbm>>) target(%arg8 : memref<128x64xf32, #tpu.memory_space<vmem>>) offsets(%dma_start3A_155 : memref<128xi32, #tpu.memory_space<vmem>>) semaphore(%arg12 : memref<!tpu.dma_semaphore, #tpu.memory_space<semaphore_mem>>)
    %scan3A = arith.constant 0 : i32
    %scan3A_159 = arith.constant 0 : i32
    %scan3A_160 = arith.constant 100 : i32
    %scan3A_161 = arith.addi %scan3A_159, %scan3A_160 : i32
    %scan3A_162 = arith.constant 1 : i32
    scf.for %scan3A_201 = %scan3A_159 to %scan3A_161 step %scan3A_162  : i32 {
      %mul3A_202 = arith.constant 2 : i32
      %mul3A_203 = arith.muli %mul3A_202, %scan3A_201 : i32
      %add3A_204 = arith.constant 1 : i32
      %add3A_205 = arith.addi %mul3A_203, %add3A_204 : i32
      %dma_wait3A_206 = arith.constant 0 : i32
      %dma_wait3A_207 = arith.constant 0 : i32
      %dma_wait3A_208 = arith.constant 0 : i32
      %dma_wait3A_209 = tpu.memref_slice %arg6[%dma_wait3A_206, %dma_wait3A_207, %dma_wait3A_208] : memref<25x8x128xi32, #tpu.memory_space<vmem>> -> memref<1x1x128xi32, #tpu.memory_space<vmem>>
      %dma_wait3A_210 = tpu.memref_squeeze %dma_wait3A_209 : memref<1x1x128xi32, #tpu.memory_space<vmem>> -> memref<128xi32, #tpu.memory_space<vmem>>
      %dma_wait3A_211 = arith.constant 0 : i32
      %dma_wait3A_212 = arith.constant 0 : i32
      %dma_wait3A_213 = tpu.memref_slice %arg3[%dma_wait3A_211, %dma_wait3A_212] : memref<100000x64xf32, #tpu.memory_space<hbm>> -> memref<100000x64xf32, #tpu.memory_space<hbm>>
      tpu.wait_indirect_dma semaphore(%arg12 : memref<!tpu.dma_semaphore, #tpu.memory_space<semaphore_mem>>) src(%dma_wait3A_213 : memref<100000x64xf32, #tpu.memory_space<hbm>>) dst(%arg8 : memref<128x64xf32, #tpu.memory_space<vmem>>)
      %jit3A_214 = arith.constant 8 : i32
      %div3A_215 = arith.divsi %add3A_205, %jit3A_214 : i32
      %sign3A_216 = arith.constant 0 : i32
      %sign3A_217 = arith.cmpi sgt, %add3A_205, %sign3A_216 : i32
      %sign3A_218 = arith.extui %sign3A_217 : i1 to i32
      %sign3A_219 = arith.constant 0 : i32
      %sign3A_220 = arith.cmpi slt, %add3A_205, %sign3A_219 : i32
      %sign3A_221 = arith.extui %sign3A_220 : i1 to i32
      %sign3A_222 = arith.subi %sign3A_218, %sign3A_221 : i32
      %sign3A_223 = arith.constant 0 : i32
      %sign3A_224 = arith.cmpi sgt, %jit3A_214, %sign3A_223 : i32
      %sign3A_225 = arith.extui %sign3A_224 : i1 to i32
      %sign3A_226 = arith.constant 0 : i32
      %sign3A_227 = arith.cmpi slt, %jit3A_214, %sign3A_226 : i32
      %sign3A_228 = arith.extui %sign3A_227 : i1 to i32
      %sign3A_229 = arith.subi %sign3A_225, %sign3A_228 : i32
      %ne3A_230 = arith.cmpi ne, %sign3A_222, %sign3A_229 : i32
      %rem3A_231 = arith.remsi %add3A_205, %jit3A_214 : i32
      %ne3A_232 = arith.constant 0 : i32
      %ne3A_233 = arith.cmpi ne, %rem3A_231, %ne3A_232 : i32
      %and3A_234 = arith.andi %ne3A_230, %ne3A_233 : i1
      %sub3A_235 = arith.constant 1 : i32
      %sub3A_236 = arith.subi %div3A_215, %sub3A_235 : i32
      %select_n3A_237 = arith.select %and3A_234, %sub3A_236, %div3A_215 : i32
      %jit3A_238 = arith.constant 8 : i32
      %eq3A_239 = arith.constant 0 : i32
      %eq3A_240 = arith.cmpi eq, %jit3A_238, %eq3A_239 : i32
      %jit3A_241 = arith.constant 1 : i32
      %select_n3A_242 = arith.select %eq3A_240, %jit3A_241, %jit3A_238 : i32
      %rem3A_243 = arith.remsi %add3A_205, %select_n3A_242 : i32
      %ne3A_244 = arith.constant 0 : i32
      %ne3A_245 = arith.cmpi ne, %rem3A_243, %ne3A_244 : i32
      %lt3A_246 = arith.constant 0 : i32
      %lt3A_247 = arith.cmpi slt, %rem3A_243, %lt3A_246 : i32
      %lt3A_248 = arith.constant 0 : i32
      %lt3A_249 = arith.cmpi slt, %select_n3A_242, %lt3A_248 : i32
      %ne3A_250 = arith.xori %lt3A_247, %lt3A_249 : i1
      %and3A_251 = arith.andi %ne3A_250, %ne3A_245 : i1
      %add3A_252 = arith.addi %rem3A_243, %select_n3A_242 : i32
      %select_n3A_253 = arith.select %and3A_251, %add3A_252, %rem3A_243 : i32
      %dma_start3A_254 = arith.constant 0 : i32
      %dma_start3A_255 = tpu.memref_slice %arg6[%select_n3A_237, %select_n3A_253, %dma_start3A_254] : memref<25x8x128xi32, #tpu.memory_space<vmem>> -> memref<1x1x128xi32, #tpu.memory_space<vmem>>
      %dma_start3A_256 = tpu.memref_squeeze %dma_start3A_255 : memref<1x1x128xi32, #tpu.memory_space<vmem>> -> memref<128xi32, #tpu.memory_space<vmem>>
      %dma_start3A_257 = arith.constant 0 : i32
      %dma_start3A_258 = arith.constant 0 : i32
      %dma_start3A_259 = tpu.memref_slice %arg3[%dma_start3A_257, %dma_start3A_258] : memref<100000x64xf32, #tpu.memory_space<hbm>> -> memref<100000x64xf32, #tpu.memory_space<hbm>>
      tpu.enqueue_indirect_dma source(%dma_start3A_259 : memref<100000x64xf32, #tpu.memory_space<hbm>>) target(%arg9 : memref<128x64xf32, #tpu.memory_space<vmem>>) offsets(%dma_start3A_256 : memref<128xi32, #tpu.memory_space<vmem>>) semaphore(%arg12 : memref<!tpu.dma_semaphore, #tpu.memory_space<semaphore_mem>>)
      %gt3A = arith.constant 0 : i32
      %gt3A_260 = arith.cmpi sgt, %scan3A_201, %gt3A : i32
      %convert_element_type3A = arith.extui %gt3A_260 : i1 to i32
      %cond3A = arith.constant 0 : i32
      %cond3A_261 = arith.cmpi ne, %convert_element_type3A, %cond3A : i32
      scf.if %cond3A_261 {
        %dma_wait3A_344 = arith.constant 0 : i32
        %dma_wait3A_345 = arith.constant 0 : i32
        %dma_wait3A_346 = arith.constant 0 : i32
        %dma_wait3A_347 = arith.constant 0 : i32
        %dma_wait3A_348 = tpu.memref_slice %arg10[%dma_wait3A_345, %dma_wait3A_346, %dma_wait3A_347] : memref<8x8x129xf32, #tpu.memory_space<vmem>> -> memref<8x8x128xf32, #tpu.memory_space<vmem>>
        %dma_wait3A_349 = arith.constant 0 : i32
        %dma_wait3A_350 = arith.constant 0 : i32
        %dma_wait3A_351 = arith.constant 0 : i32
        %dma_wait3A_352 = tpu.memref_slice %arg5[%dma_wait3A_344, %dma_wait3A_349, %add3A, %dma_wait3A_350, %dma_wait3A_351] : memref<200x8x32x8x128xf32, #tpu.memory_space<hbm>> -> memref<1x8x1x8x128xf32, #tpu.memory_space<hbm>>
        %dma_wait3A_353 = tpu.memref_squeeze %dma_wait3A_352 : memref<1x8x1x8x128xf32, #tpu.memory_space<hbm>> -> memref<8x8x128xf32, #tpu.memory_space<hbm>>
        %dma_wait3A_354 = arith.constant 0 : i32
        %dma_wait3A_355 = arith.constant 0 : i32
        %dma_wait3A_356 = arith.constant 0 : i32
        %dma_wait3A_357 = tpu.memref_slice %arg5[%dma_wait3A_344, %dma_wait3A_354, %add3A, %dma_wait3A_355, %dma_wait3A_356] : memref<200x8x32x8x128xf32, #tpu.memory_space<hbm>> -> memref<1x8x1x8x128xf32, #tpu.memory_space<hbm>>
        %dma_wait3A_358 = tpu.memref_squeeze %dma_wait3A_357 : memref<1x8x1x8x128xf32, #tpu.memory_space<hbm>> -> memref<8x8x128xf32, #tpu.memory_space<hbm>>
        %dma_wait3A_359 = arith.constant 0 : i32
        %dma_wait3A_360 = arith.constant 0 : i32
        %dma_wait3A_361 = arith.constant 0 : i32
        %dma_wait3A_362 = tpu.memref_slice %arg10[%dma_wait3A_359, %dma_wait3A_360, %dma_wait3A_361] : memref<8x8x129xf32, #tpu.memory_space<vmem>> -> memref<8x8x128xf32, #tpu.memory_space<vmem>>
        tpu.wait_dma2 semaphore(%arg13 : memref<!tpu.dma_semaphore, #tpu.memory_space<semaphore_mem>>) src(%dma_wait3A_362 : memref<8x8x128xf32, #tpu.memory_space<vmem>>) dst(%dma_wait3A_358 : memref<8x8x128xf32, #tpu.memory_space<hbm>>)
      } else {
      }
      %get3A = arith.index_cast %mul3A_203 : i32 to index
      %get3A_262 = arith.constant 0 : index
      %get3A_263 = tpu.vector_load %arg7[%get3A, %get3A_262] {strides = array<i32>} : memref<200x64xf32, #tpu.memory_space<vmem>>, vector<16xf32>,
      %get3A_264 = arith.index_cast %mul3A_203 : i32 to index
      %get3A_265 = arith.constant 16 : index
      %get3A_266 = tpu.vector_load %arg7[%get3A_264, %get3A_265] {strides = array<i32>} : memref<200x64xf32, #tpu.memory_space<vmem>>, vector<16xf32>,
      %get3A_267 = arith.index_cast %mul3A_203 : i32 to index
      %get3A_268 = arith.constant 32 : index
      %get3A_269 = tpu.vector_load %arg7[%get3A_267, %get3A_268] {strides = array<i32>} : memref<200x64xf32, #tpu.memory_space<vmem>>, vector<16xf32>,
      %get3A_270 = arith.index_cast %mul3A_203 : i32 to index
      %get3A_271 = arith.constant 48 : index
      %get3A_272 = tpu.vector_load %arg7[%get3A_270, %get3A_271] {strides = array<i32>} : memref<200x64xf32, #tpu.memory_space<vmem>>, vector<16xf32>,
      %parallel_loop3A = arith.constant 0 : i32
      %parallel_loop3A_273 = arith.constant 128 : i32
      %parallel_loop3A_274 = arith.constant 1 : i32
      scf.for %parallel_loop3A_344 = %parallel_loop3A to %parallel_loop3A_273 step %parallel_loop3A_274  : i32 {
        %parallel_loop3A_345 = vector.broadcast %parallel_loop3A_344 : i32 to vector<16xi32>
        %parallel_loop3A_346 = arith.addi %mul3A_151, %parallel_loop3A_345 : vector<16xi32>
        %parallel_loop3A_347 = arith.index_cast %parallel_loop3A_344 : i32 to index
        %parallel_loop3A_348 = arith.constant 0 : index
        %parallel_loop3A_349 = tpu.vector_load %arg8[%parallel_loop3A_347, %parallel_loop3A_348] {strides = array<i32>} : memref<128x64xf32, #tpu.memory_space<vmem>>, vector<16xf32>,
        %parallel_loop3A_350 = arith.addf %parallel_loop3A_349, %get3A_263 : vector<16xf32>
        tpu.vector_store_idx %arg10[%add3A_26, %select_n3A_148, %parallel_loop3A_346], %parallel_loop3A_350 : memref<8x8x129xf32, #tpu.memory_space<vmem>>[vector<16xi32>, vector<16xi32>, vector<16xi32>], vector<16xf32>,
        %parallel_loop3A_351 = arith.index_cast %parallel_loop3A_344 : i32 to index
        %parallel_loop3A_352 = arith.constant 16 : index
        %parallel_loop3A_353 = tpu.vector_load %arg8[%parallel_loop3A_351, %parallel_loop3A_352] {strides = array<i32>} : memref<128x64xf32, #tpu.memory_space<vmem>>, vector<16xf32>,
        %parallel_loop3A_354 = arith.addf %parallel_loop3A_353, %get3A_266 : vector<16xf32>
        tpu.vector_store_idx %arg10[%add3A_60, %select_n3A_148, %parallel_loop3A_346], %parallel_loop3A_354 : memref<8x8x129xf32, #tpu.memory_space<vmem>>[vector<16xi32>, vector<16xi32>, vector<16xi32>], vector<16xf32>,
        %parallel_loop3A_355 = arith.index_cast %parallel_loop3A_344 : i32 to index
        %parallel_loop3A_356 = arith.constant 32 : index
        %parallel_loop3A_357 = tpu.vector_load %arg8[%parallel_loop3A_355, %parallel_loop3A_356] {strides = array<i32>} : memref<128x64xf32, #tpu.memory_space<vmem>>, vector<16xf32>,
        %parallel_loop3A_358 = arith.addf %parallel_loop3A_357, %get3A_269 : vector<16xf32>
        tpu.vector_store_idx %arg10[%add3A_94, %select_n3A_148, %parallel_loop3A_346], %parallel_loop3A_358 : memref<8x8x129xf32, #tpu.memory_space<vmem>>[vector<16xi32>, vector<16xi32>, vector<16xi32>], vector<16xf32>,
        %parallel_loop3A_359 = arith.index_cast %parallel_loop3A_344 : i32 to index
        %parallel_loop3A_360 = arith.constant 48 : index
        %parallel_loop3A_361 = tpu.vector_load %arg8[%parallel_loop3A_359, %parallel_loop3A_360] {strides = array<i32>} : memref<128x64xf32, #tpu.memory_space<vmem>>, vector<16xf32>,
        %parallel_loop3A_362 = arith.addf %parallel_loop3A_361, %get3A_272 : vector<16xf32>
        tpu.vector_store_idx %arg10[%add3A_128, %select_n3A_148, %parallel_loop3A_346], %parallel_loop3A_362 : memref<8x8x129xf32, #tpu.memory_space<vmem>>[vector<16xi32>, vector<16xi32>, vector<16xi32>], vector<16xf32>,
      } {sc.loop_unroll_factor = 8 : i64, sc.parallel_access}
      %dma_start3A_275 = arith.constant 0 : i32
      %dma_start3A_276 = arith.constant 0 : i32
      %dma_start3A_277 = arith.constant 0 : i32
      %dma_start3A_278 = tpu.memref_slice %arg10[%dma_start3A_275, %dma_start3A_276, %dma_start3A_277] : memref<8x8x129xf32, #tpu.memory_space<vmem>> -> memref<8x8x128xf32, #tpu.memory_space<vmem>>
      %dma_start3A_279 = arith.constant 0 : i32
      %dma_start3A_280 = arith.constant 0 : i32
      %dma_start3A_281 = arith.constant 0 : i32
      %dma_start3A_282 = tpu.memref_slice %arg5[%mul3A_203, %dma_start3A_279, %add3A, %dma_start3A_280, %dma_start3A_281] : memref<200x8x32x8x128xf32, #tpu.memory_space<hbm>> -> memref<1x8x1x8x128xf32, #tpu.memory_space<hbm>>
      %dma_start3A_283 = tpu.memref_squeeze %dma_start3A_282 : memref<1x8x1x8x128xf32, #tpu.memory_space<hbm>> -> memref<8x8x128xf32, #tpu.memory_space<hbm>>
      %dma_start3A_284 = arith.constant 0 : i32
      %dma_start3A_285 = arith.constant 0 : i32
      %dma_start3A_286 = arith.constant 0 : i32
      %dma_start3A_287 = tpu.memref_slice %arg5[%mul3A_203, %dma_start3A_284, %add3A, %dma_start3A_285, %dma_start3A_286] : memref<200x8x32x8x128xf32, #tpu.memory_space<hbm>> -> memref<1x8x1x8x128xf32, #tpu.memory_space<hbm>>
      %dma_start3A_288 = tpu.memref_squeeze %dma_start3A_287 : memref<1x8x1x8x128xf32, #tpu.memory_space<hbm>> -> memref<8x8x128xf32, #tpu.memory_space<hbm>>
      %dma_start3A_289 = arith.constant 0 : i32
      %dma_start3A_290 = arith.constant 0 : i32
      %dma_start3A_291 = arith.constant 0 : i32
      %dma_start3A_292 = tpu.memref_slice %arg10[%dma_start3A_289, %dma_start3A_290, %dma_start3A_291] : memref<8x8x129xf32, #tpu.memory_space<vmem>> -> memref<8x8x128xf32, #tpu.memory_space<vmem>>
      tpu.enqueue_dma source(%dma_start3A_292 : memref<8x8x128xf32, #tpu.memory_space<vmem>>) target(%dma_start3A_288 : memref<8x8x128xf32, #tpu.memory_space<hbm>>) target_semaphore(%arg13 : memref<!tpu.dma_semaphore, #tpu.memory_space<semaphore_mem>>)
      %dma_wait3A_293 = arith.constant 0 : i32
      %dma_wait3A_294 = arith.constant 0 : i32
      %dma_wait3A_295 = arith.constant 0 : i32
      %dma_wait3A_296 = tpu.memref_slice %arg6[%dma_wait3A_293, %dma_wait3A_294, %dma_wait3A_295] : memref<25x8x128xi32, #tpu.memory_space<vmem>> -> memref<1x1x128xi32, #tpu.memory_space<vmem>>
      %dma_wait3A_297 = tpu.memref_squeeze %dma_wait3A_296 : memref<1x1x128xi32, #tpu.memory_space<vmem>> -> memref<128xi32, #tpu.memory_space<vmem>>
      %dma_wait3A_298 = arith.constant 0 : i32
      %dma_wait3A_299 = arith.constant 0 : i32
      %dma_wait3A_300 = tpu.memref_slice %arg3[%dma_wait3A_298, %dma_wait3A_299] : memref<100000x64xf32, #tpu.memory_space<hbm>> -> memref<100000x64xf32, #tpu.memory_space<hbm>>
      tpu.wait_indirect_dma semaphore(%arg12 : memref<!tpu.dma_semaphore, #tpu.memory_space<semaphore_mem>>) src(%dma_wait3A_300 : memref<100000x64xf32, #tpu.memory_space<hbm>>) dst(%arg9 : memref<128x64xf32, #tpu.memory_space<vmem>>)
      %lt3A_301 = arith.constant 99 : i32
      %lt3A_302 = arith.cmpi slt, %scan3A_201, %lt3A_301 : i32
      %convert_element_type3A_303 = arith.extui %lt3A_302 : i1 to i32
      %cond3A_304 = arith.constant 0 : i32
      %cond3A_305 = arith.cmpi ne, %convert_element_type3A_303, %cond3A_304 : i32
      scf.if %cond3A_305 {
        %add3A_344 = arith.constant 2 : i32
        %add3A_345 = arith.addi %mul3A_203, %add3A_344 : i32
        %jit3A_346 = arith.constant 8 : i32
        %div3A_347 = arith.divsi %add3A_345, %jit3A_346 : i32
        %sign3A_348 = arith.constant 0 : i32
        %sign3A_349 = arith.cmpi sgt, %add3A_345, %sign3A_348 : i32
        %sign3A_350 = arith.extui %sign3A_349 : i1 to i32
        %sign3A_351 = arith.constant 0 : i32
        %sign3A_352 = arith.cmpi slt, %add3A_345, %sign3A_351 : i32
        %sign3A_353 = arith.extui %sign3A_352 : i1 to i32
        %sign3A_354 = arith.subi %sign3A_350, %sign3A_353 : i32
        %sign3A_355 = arith.constant 0 : i32
        %sign3A_356 = arith.cmpi sgt, %jit3A_346, %sign3A_355 : i32
        %sign3A_357 = arith.extui %sign3A_356 : i1 to i32
        %sign3A_358 = arith.constant 0 : i32
        %sign3A_359 = arith.cmpi slt, %jit3A_346, %sign3A_358 : i32
        %sign3A_360 = arith.extui %sign3A_359 : i1 to i32
        %sign3A_361 = arith.subi %sign3A_357, %sign3A_360 : i32
        %ne3A_362 = arith.cmpi ne, %sign3A_354, %sign3A_361 : i32
        %rem3A_363 = arith.remsi %add3A_345, %jit3A_346 : i32
        %ne3A_364 = arith.constant 0 : i32
        %ne3A_365 = arith.cmpi ne, %rem3A_363, %ne3A_364 : i32
        %and3A_366 = arith.andi %ne3A_362, %ne3A_365 : i1
        %sub3A_367 = arith.constant 1 : i32
        %sub3A_368 = arith.subi %div3A_347, %sub3A_367 : i32
        %select_n3A_369 = arith.select %and3A_366, %sub3A_368, %div3A_347 : i32
        %jit3A_370 = arith.constant 8 : i32
        %eq3A_371 = arith.constant 0 : i32
        %eq3A_372 = arith.cmpi eq, %jit3A_370, %eq3A_371 : i32
        %jit3A_373 = arith.constant 1 : i32
        %select_n3A_374 = arith.select %eq3A_372, %jit3A_373, %jit3A_370 : i32
        %rem3A_375 = arith.remsi %add3A_345, %select_n3A_374 : i32
        %ne3A_376 = arith.constant 0 : i32
        %ne3A_377 = arith.cmpi ne, %rem3A_375, %ne3A_376 : i32
        %lt3A_378 = arith.constant 0 : i32
        %lt3A_379 = arith.cmpi slt, %rem3A_375, %lt3A_378 : i32
        %lt3A_380 = arith.constant 0 : i32
        %lt3A_381 = arith.cmpi slt, %select_n3A_374, %lt3A_380 : i32
        %ne3A_382 = arith.xori %lt3A_379, %lt3A_381 : i1
        %and3A_383 = arith.andi %ne3A_382, %ne3A_377 : i1
        %add3A_384 = arith.addi %rem3A_375, %select_n3A_374 : i32
        %select_n3A_385 = arith.select %and3A_383, %add3A_384, %rem3A_375 : i32
        %dma_start3A_386 = arith.constant 0 : i32
        %dma_start3A_387 = tpu.memref_slice %arg6[%select_n3A_369, %select_n3A_385, %dma_start3A_386] : memref<25x8x128xi32, #tpu.memory_space<vmem>> -> memref<1x1x128xi32, #tpu.memory_space<vmem>>
        %dma_start3A_388 = tpu.memref_squeeze %dma_start3A_387 : memref<1x1x128xi32, #tpu.memory_space<vmem>> -> memref<128xi32, #tpu.memory_space<vmem>>
        %dma_start3A_389 = arith.constant 0 : i32
        %dma_start3A_390 = arith.constant 0 : i32
        %dma_start3A_391 = tpu.memref_slice %arg3[%dma_start3A_389, %dma_start3A_390] : memref<100000x64xf32, #tpu.memory_space<hbm>> -> memref<100000x64xf32, #tpu.memory_space<hbm>>
        tpu.enqueue_indirect_dma source(%dma_start3A_391 : memref<100000x64xf32, #tpu.memory_space<hbm>>) target(%arg8 : memref<128x64xf32, #tpu.memory_space<vmem>>) offsets(%dma_start3A_388 : memref<128xi32, #tpu.memory_space<vmem>>) semaphore(%arg12 : memref<!tpu.dma_semaphore, #tpu.memory_space<semaphore_mem>>)
      } else {
      }
      %gt3A_306 = arith.constant 0 : i32
      %gt3A_307 = arith.cmpi sgt, %scan3A_201, %gt3A_306 : i32
      %convert_element_type3A_308 = arith.extui %gt3A_307 : i1 to i32
      %cond3A_309 = arith.constant 0 : i32
      %cond3A_310 = arith.cmpi ne, %convert_element_type3A_308, %cond3A_309 : i32
      scf.if %cond3A_310 {
        %dma_wait3A_344 = arith.constant 0 : i32
        %dma_wait3A_345 = arith.constant 0 : i32
        %dma_wait3A_346 = arith.constant 0 : i32
        %dma_wait3A_347 = arith.constant 0 : i32
        %dma_wait3A_348 = tpu.memref_slice %arg11[%dma_wait3A_345, %dma_wait3A_346, %dma_wait3A_347] : memref<8x8x129xf32, #tpu.memory_space<vmem>> -> memref<8x8x128xf32, #tpu.memory_space<vmem>>
        %dma_wait3A_349 = arith.constant 0 : i32
        %dma_wait3A_350 = arith.constant 0 : i32
        %dma_wait3A_351 = arith.constant 0 : i32
        %dma_wait3A_352 = tpu.memref_slice %arg5[%dma_wait3A_344, %dma_wait3A_349, %add3A, %dma_wait3A_350, %dma_wait3A_351] : memref<200x8x32x8x128xf32, #tpu.memory_space<hbm>> -> memref<1x8x1x8x128xf32, #tpu.memory_space<hbm>>
        %dma_wait3A_353 = tpu.memref_squeeze %dma_wait3A_352 : memref<1x8x1x8x128xf32, #tpu.memory_space<hbm>> -> memref<8x8x128xf32, #tpu.memory_space<hbm>>
        %dma_wait3A_354 = arith.constant 0 : i32
        %dma_wait3A_355 = arith.constant 0 : i32
        %dma_wait3A_356 = arith.constant 0 : i32
        %dma_wait3A_357 = tpu.memref_slice %arg5[%dma_wait3A_344, %dma_wait3A_354, %add3A, %dma_wait3A_355, %dma_wait3A_356] : memref<200x8x32x8x128xf32, #tpu.memory_space<hbm>> -> memref<1x8x1x8x128xf32, #tpu.memory_space<hbm>>
        %dma_wait3A_358 = tpu.memref_squeeze %dma_wait3A_357 : memref<1x8x1x8x128xf32, #tpu.memory_space<hbm>> -> memref<8x8x128xf32, #tpu.memory_space<hbm>>
        %dma_wait3A_359 = arith.constant 0 : i32
        %dma_wait3A_360 = arith.constant 0 : i32
        %dma_wait3A_361 = arith.constant 0 : i32
        %dma_wait3A_362 = tpu.memref_slice %arg11[%dma_wait3A_359, %dma_wait3A_360, %dma_wait3A_361] : memref<8x8x129xf32, #tpu.memory_space<vmem>> -> memref<8x8x128xf32, #tpu.memory_space<vmem>>
        tpu.wait_dma2 semaphore(%arg14 : memref<!tpu.dma_semaphore, #tpu.memory_space<semaphore_mem>>) src(%dma_wait3A_362 : memref<8x8x128xf32, #tpu.memory_space<vmem>>) dst(%dma_wait3A_358 : memref<8x8x128xf32, #tpu.memory_space<hbm>>)
      } else {
      }
      %get3A_311 = arith.index_cast %add3A_205 : i32 to index
      %get3A_312 = arith.constant 0 : index
      %get3A_313 = tpu.vector_load %arg7[%get3A_311, %get3A_312] {strides = array<i32>} : memref<200x64xf32, #tpu.memory_space<vmem>>, vector<16xf32>,
      %get3A_314 = arith.index_cast %add3A_205 : i32 to index
      %get3A_315 = arith.constant 16 : index
      %get3A_316 = tpu.vector_load %arg7[%get3A_314, %get3A_315] {strides = array<i32>} : memref<200x64xf32, #tpu.memory_space<vmem>>, vector<16xf32>,
      %get3A_317 = arith.index_cast %add3A_205 : i32 to index
      %get3A_318 = arith.constant 32 : index
      %get3A_319 = tpu.vector_load %arg7[%get3A_317, %get3A_318] {strides = array<i32>} : memref<200x64xf32, #tpu.memory_space<vmem>>, vector<16xf32>,
      %get3A_320 = arith.index_cast %add3A_205 : i32 to index
      %get3A_321 = arith.constant 48 : index
      %get3A_322 = tpu.vector_load %arg7[%get3A_320, %get3A_321] {strides = array<i32>} : memref<200x64xf32, #tpu.memory_space<vmem>>, vector<16xf32>,
      %parallel_loop3A_323 = arith.constant 0 : i32
      %parallel_loop3A_324 = arith.constant 128 : i32
      %parallel_loop3A_325 = arith.constant 1 : i32
      scf.for %parallel_loop3A_344 = %parallel_loop3A_323 to %parallel_loop3A_324 step %parallel_loop3A_325  : i32 {
        %parallel_loop3A_345 = vector.broadcast %parallel_loop3A_344 : i32 to vector<16xi32>
        %parallel_loop3A_346 = arith.addi %mul3A_151, %parallel_loop3A_345 : vector<16xi32>
        %parallel_loop3A_347 = arith.index_cast %parallel_loop3A_344 : i32 to index
        %parallel_loop3A_348 = arith.constant 0 : index
        %parallel_loop3A_349 = tpu.vector_load %arg9[%parallel_loop3A_347, %parallel_loop3A_348] {strides = array<i32>} : memref<128x64xf32, #tpu.memory_space<vmem>>, vector<16xf32>,
        %parallel_loop3A_350 = arith.addf %parallel_loop3A_349, %get3A_313 : vector<16xf32>
        tpu.vector_store_idx %arg11[%add3A_26, %select_n3A_148, %parallel_loop3A_346], %parallel_loop3A_350 : memref<8x8x129xf32, #tpu.memory_space<vmem>>[vector<16xi32>, vector<16xi32>, vector<16xi32>], vector<16xf32>,
        %parallel_loop3A_351 = arith.index_cast %parallel_loop3A_344 : i32 to index
        %parallel_loop3A_352 = arith.constant 16 : index
        %parallel_loop3A_353 = tpu.vector_load %arg9[%parallel_loop3A_351, %parallel_loop3A_352] {strides = array<i32>} : memref<128x64xf32, #tpu.memory_space<vmem>>, vector<16xf32>,
        %parallel_loop3A_354 = arith.addf %parallel_loop3A_353, %get3A_316 : vector<16xf32>
        tpu.vector_store_idx %arg11[%add3A_60, %select_n3A_148, %parallel_loop3A_346], %parallel_loop3A_354 : memref<8x8x129xf32, #tpu.memory_space<vmem>>[vector<16xi32>, vector<16xi32>, vector<16xi32>], vector<16xf32>,
        %parallel_loop3A_355 = arith.index_cast %parallel_loop3A_344 : i32 to index
        %parallel_loop3A_356 = arith.constant 32 : index
        %parallel_loop3A_357 = tpu.vector_load %arg9[%parallel_loop3A_355, %parallel_loop3A_356] {strides = array<i32>} : memref<128x64xf32, #tpu.memory_space<vmem>>, vector<16xf32>,
        %parallel_loop3A_358 = arith.addf %parallel_loop3A_357, %get3A_319 : vector<16xf32>
        tpu.vector_store_idx %arg11[%add3A_94, %select_n3A_148, %parallel_loop3A_346], %parallel_loop3A_358 : memref<8x8x129xf32, #tpu.memory_space<vmem>>[vector<16xi32>, vector<16xi32>, vector<16xi32>], vector<16xf32>,
        %parallel_loop3A_359 = arith.index_cast %parallel_loop3A_344 : i32 to index
        %parallel_loop3A_360 = arith.constant 48 : index
        %parallel_loop3A_361 = tpu.vector_load %arg9[%parallel_loop3A_359, %parallel_loop3A_360] {strides = array<i32>} : memref<128x64xf32, #tpu.memory_space<vmem>>, vector<16xf32>,
        %parallel_loop3A_362 = arith.addf %parallel_loop3A_361, %get3A_322 : vector<16xf32>
        tpu.vector_store_idx %arg11[%add3A_128, %select_n3A_148, %parallel_loop3A_346], %parallel_loop3A_362 : memref<8x8x129xf32, #tpu.memory_space<vmem>>[vector<16xi32>, vector<16xi32>, vector<16xi32>], vector<16xf32>,
      } {sc.loop_unroll_factor = 8 : i64, sc.parallel_access}
      %dma_start3A_326 = arith.constant 0 : i32
      %dma_start3A_327 = arith.constant 0 : i32
      %dma_start3A_328 = arith.constant 0 : i32
      %dma_start3A_329 = tpu.memref_slice %arg11[%dma_start3A_326, %dma_start3A_327, %dma_start3A_328] : memref<8x8x129xf32, #tpu.memory_space<vmem>> -> memref<8x8x128xf32, #tpu.memory_space<vmem>>
      %dma_start3A_330 = arith.constant 0 : i32
      %dma_start3A_331 = arith.constant 0 : i32
      %dma_start3A_332 = arith.constant 0 : i32
      %dma_start3A_333 = tpu.memref_slice %arg5[%add3A_205, %dma_start3A_330, %add3A, %dma_start3A_331, %dma_start3A_332] : memref<200x8x32x8x128xf32, #tpu.memory_space<hbm>> -> memref<1x8x1x8x128xf32, #tpu.memory_space<hbm>>
      %dma_start3A_334 = tpu.memref_squeeze %dma_start3A_333 : memref<1x8x1x8x128xf32, #tpu.memory_space<hbm>> -> memref<8x8x128xf32, #tpu.memory_space<hbm>>
      %dma_start3A_335 = arith.constant 0 : i32
      %dma_start3A_336 = arith.constant 0 : i32
      %dma_start3A_337 = arith.constant 0 : i32
      %dma_start3A_338 = tpu.memref_slice %arg5[%add3A_205, %dma_start3A_335, %add3A, %dma_start3A_336, %dma_start3A_337] : memref<200x8x32x8x128xf32, #tpu.memory_space<hbm>> -> memref<1x8x1x8x128xf32, #tpu.memory_space<hbm>>
      %dma_start3A_339 = tpu.memref_squeeze %dma_start3A_338 : memref<1x8x1x8x128xf32, #tpu.memory_space<hbm>> -> memref<8x8x128xf32, #tpu.memory_space<hbm>>
      %dma_start3A_340 = arith.constant 0 : i32
      %dma_start3A_341 = arith.constant 0 : i32
      %dma_start3A_342 = arith.constant 0 : i32
      %dma_start3A_343 = tpu.memref_slice %arg11[%dma_start3A_340, %dma_start3A_341, %dma_start3A_342] : memref<8x8x129xf32, #tpu.memory_space<vmem>> -> memref<8x8x128xf32, #tpu.memory_space<vmem>>
      tpu.enqueue_dma source(%dma_start3A_343 : memref<8x8x128xf32, #tpu.memory_space<vmem>>) target(%dma_start3A_339 : memref<8x8x128xf32, #tpu.memory_space<hbm>>) target_semaphore(%arg14 : memref<!tpu.dma_semaphore, #tpu.memory_space<semaphore_mem>>)
    }
    %scan3A_163 = arith.constant 100 : i32
    %dma_wait3A = arith.constant 0 : i32
    %dma_wait3A_164 = arith.constant 0 : i32
    %dma_wait3A_165 = arith.constant 0 : i32
    %dma_wait3A_166 = arith.constant 0 : i32
    %dma_wait3A_167 = tpu.memref_slice %arg10[%dma_wait3A_164, %dma_wait3A_165, %dma_wait3A_166] : memref<8x8x129xf32, #tpu.memory_space<vmem>> -> memref<8x8x128xf32, #tpu.memory_space<vmem>>
    %dma_wait3A_168 = arith.constant 0 : i32
    %dma_wait3A_169 = arith.constant 0 : i32
    %dma_wait3A_170 = arith.constant 0 : i32
    %dma_wait3A_171 = tpu.memref_slice %arg5[%dma_wait3A, %dma_wait3A_168, %add3A, %dma_wait3A_169, %dma_wait3A_170] : memref<200x8x32x8x128xf32, #tpu.memory_space<hbm>> -> memref<1x8x1x8x128xf32, #tpu.memory_space<hbm>>
    %dma_wait3A_172 = tpu.memref_squeeze %dma_wait3A_171 : memref<1x8x1x8x128xf32, #tpu.memory_space<hbm>> -> memref<8x8x128xf32, #tpu.memory_space<hbm>>
    %dma_wait3A_173 = arith.constant 0 : i32
    %dma_wait3A_174 = arith.constant 0 : i32
    %dma_wait3A_175 = arith.constant 0 : i32
    %dma_wait3A_176 = tpu.memref_slice %arg5[%dma_wait3A, %dma_wait3A_173, %add3A, %dma_wait3A_174, %dma_wait3A_175] : memref<200x8x32x8x128xf32, #tpu.memory_space<hbm>> -> memref<1x8x1x8x128xf32, #tpu.memory_space<hbm>>
    %dma_wait3A_177 = tpu.memref_squeeze %dma_wait3A_176 : memref<1x8x1x8x128xf32, #tpu.memory_space<hbm>> -> memref<8x8x128xf32, #tpu.memory_space<hbm>>
    %dma_wait3A_178 = arith.constant 0 : i32
    %dma_wait3A_179 = arith.constant 0 : i32
    %dma_wait3A_180 = arith.constant 0 : i32
    %dma_wait3A_181 = tpu.memref_slice %arg10[%dma_wait3A_178, %dma_wait3A_179, %dma_wait3A_180] : memref<8x8x129xf32, #tpu.memory_space<vmem>> -> memref<8x8x128xf32, #tpu.memory_space<vmem>>
    tpu.wait_dma2 semaphore(%arg13 : memref<!tpu.dma_semaphore, #tpu.memory_space<semaphore_mem>>) src(%dma_wait3A_181 : memref<8x8x128xf32, #tpu.memory_space<vmem>>) dst(%dma_wait3A_177 : memref<8x8x128xf32, #tpu.memory_space<hbm>>)
    %dma_wait3A_182 = arith.constant 0 : i32
    %dma_wait3A_183 = arith.constant 0 : i32
    %dma_wait3A_184 = arith.constant 0 : i32
    %dma_wait3A_185 = arith.constant 0 : i32
    %dma_wait3A_186 = tpu.memref_slice %arg11[%dma_wait3A_183, %dma_wait3A_184, %dma_wait3A_185] : memref<8x8x129xf32, #tpu.memory_space<vmem>> -> memref<8x8x128xf32, #tpu.memory_space<vmem>>
    %dma_wait3A_187 = arith.constant 0 : i32
    %dma_wait3A_188 = arith.constant 0 : i32
    %dma_wait3A_189 = arith.constant 0 : i32
    %dma_wait3A_190 = tpu.memref_slice %arg5[%dma_wait3A_182, %dma_wait3A_187, %add3A, %dma_wait3A_188, %dma_wait3A_189] : memref<200x8x32x8x128xf32, #tpu.memory_space<hbm>> -> memref<1x8x1x8x128xf32, #tpu.memory_space<hbm>>
    %dma_wait3A_191 = tpu.memref_squeeze %dma_wait3A_190 : memref<1x8x1x8x128xf32, #tpu.memory_space<hbm>> -> memref<8x8x128xf32, #tpu.memory_space<hbm>>
    %dma_wait3A_192 = arith.constant 0 : i32
    %dma_wait3A_193 = arith.constant 0 : i32
    %dma_wait3A_194 = arith.constant 0 : i32
    %dma_wait3A_195 = tpu.memref_slice %arg5[%dma_wait3A_182, %dma_wait3A_192, %add3A, %dma_wait3A_193, %dma_wait3A_194] : memref<200x8x32x8x128xf32, #tpu.memory_space<hbm>> -> memref<1x8x1x8x128xf32, #tpu.memory_space<hbm>>
    %dma_wait3A_196 = tpu.memref_squeeze %dma_wait3A_195 : memref<1x8x1x8x128xf32, #tpu.memory_space<hbm>> -> memref<8x8x128xf32, #tpu.memory_space<hbm>>
    %dma_wait3A_197 = arith.constant 0 : i32
    %dma_wait3A_198 = arith.constant 0 : i32
    %dma_wait3A_199 = arith.constant 0 : i32
    %dma_wait3A_200 = tpu.memref_slice %arg11[%dma_wait3A_197, %dma_wait3A_198, %dma_wait3A_199] : memref<8x8x129xf32, #tpu.memory_space<vmem>> -> memref<8x8x128xf32, #tpu.memory_space<vmem>>
    tpu.wait_dma2 semaphore(%arg14 : memref<!tpu.dma_semaphore, #tpu.memory_space<semaphore_mem>>) src(%dma_wait3A_200 : memref<8x8x128xf32, #tpu.memory_space<vmem>>) dst(%dma_wait3A_196 : memref<8x8x128xf32, #tpu.memory_space<hbm>>)
    return
  }
}

</mosaic_0001>

<sc_bundles>
// kernel: kernel.3.cloned.1.call-start
scs
__scs_entry_jumppad:
0x0: {  	(pc) =	sbr.rel $0x88, $3  }
0x1: {  	(tag) =	ssettag $0x0;
	lr =	simm.s32 $0x1  }
0x2: {  	[smem:$0x3F9E] =	sst lr;
	_ =	strace $0xD0000000  }
0x3: {  	_ = 	snop  }
0x4: {  	_ = 	snop  }
0x5: {  	_ = 	snop  }
0x6: {  	_ = 	snop  }
0x7: {  	_ = 	snop  }
__scs_overlays_trampoline_lowered:
0x8: {  	[smem:$0x3FAD] =	sst s0  }
0x9: {  	[smem:$0x3FAE] =	sst s1  }
0xa: {  	[smem:$0x3FAF] =	sst s2  }
0xb: {  	[smem:$0x3FB0] =	sst s3  }
0xc: {  	[smem:$0x3FB1] =	sst s4  }
0xd: {  	[smem:$0x3FB2] =	sst s5  }
0xe: {  	[smem:$0x3FB3] =	sst s6  }
0xf: {  	[smem:$0x3FB4] =	sst s7  }
0x10: {  	[smem:$0x3FB5] =	sst s8  }
0x11: {  	[smem:$0x3FB6] =	sst s9;
	s0 =	simm.s32 @!p0 $0x0  }
0x12: {  	s1 =	sld [smem:$0x3F9C];
	s0 =	simm.s32 @p0 $0x1  }
0x13: {  	[smem:$0x3FB7] =	sst s0;
	s0 =	simm.s32 @!p1 $0x0  }
0x14: {  	s2 =	sld [smem:$0x3F9B];
	s0 =	simm.s32 @p1 $0x1  }
0x15: {  	[smem:$0x3FB8] =	sst s0;
	s0 =	simm.s32 @!p2 $0x0  }
0x16: {  	s3 =	sld [smem:$0x3FDB];
	s0 =	simm.s32 @p2 $0x1  }
0x17: {  	s4 =	simm.s32 $0x1BF5;
	[smem:$0x3FBA] =	sst s0  }
0x18: {  	s0 =	sld [smem:$0x3F9D];
	_ =	swait.ge [sflag:s4], $0x0  }
0x19: {  	s7 =	sld [smem:$0x3F9E]  }
0x1a: {  	s8 =	sadd.s32 $0xFFFFE003, lr  }
0x1b: {  	s9 =	sadd.s32 $0xFFFFFEF7, lr;
	s5 =	simm.s32 $0xFFFFFFFF;
	p2 =	slt.u32 s8, $0xFFFFF086  }
0x1c: {  	p1 =	slt.u32 s9, $0xF7A;
	s5 =	simm.s32 @!p2 $0x0  }
0x1d: {  	s5 =	simm.s32 @p1 $0x1;
	p0 =	seq.s32 s7, s2  }
0x1e: {  	s7 =	smul.u32 @!p0 $0xF7A, s2;
	p2 =	seq.s32 @!p0 s5, $0x0  }
0x1f: {  	s9 =	smul.u32 $0xF7A, s1;
	s8 =	simm.s32 @!p0 $0x1BF5;
	p2 =	por !p2, p0  }
0x20: {  	[sflag:s8] =	ssyncset.s32 @!p0 $0xFFFFF086;
	s6 =	sadd.s32 @!p0 s3, s7;
	s7 =	simm.s32 @!p0 $0x108  }
0x21: {  	s3 =	sadd.s32 s3, s9;
	s6 =	sadd.s32 @!p0 $0x88, s6;
	s7 =	simm.s32 @p2 $0x1082  }
0x22: {  	[simem:s7], [sflag:s8] =	dma.local @!p0 [hbm:s6], $0xF7A  }
0x23: {  	s9 =	sor.u32 $0xD0000000, s2;
	s6 =	simm.s32 $0x108;
	_ =	swait.ge @!p0 [sflag:s8], $0x0  }
0x24: {  	s3 =	sadd.s32 $0x88, s3;
	s6 =	simm.s32 @!p1 $0x1082;
	[sflag:s4] =	ssyncset.s32 $0xFFFFF086  }
0x25: {  	[simem:s6], [sflag:s4] =	dma.local [hbm:s3], $0xF7A  }
0x26: {  	[smem:$0x3F9E] =	sst s1;
	(tag) =	ssettag s2;
	_ =	strace s9  }
0x27: {  	s1 =	sld [smem:$0x3FAE]  }
0x28: {  	s2 =	sld [smem:$0x3FAF]  }
0x29: {  	s4 =	sld [smem:$0x3FB1]  }
0x2a: {  	p0 =	seq.s32 s5, $0x0;
	s5 =	sld [smem:$0x3FB2]  }
0x2b: {  	s6 =	sld [smem:$0x3FB3]  }
0x2c: {  	s7 =	sld [smem:$0x3FB4]  }
0x2d: {  	s3 =	simm.s32 $0x108;
	s8 =	sld [smem:$0x3FB5]  }
0x2e: {  	s3 =	simm.s32 @!p0 $0x1082;
	s9 =	sld [smem:$0x3FB6]  }
0x2f: {  	lr =	sadd.s32 s0, s3;
	s0 =	sld [smem:$0x3FAD]  }
0x30: {  	s3 =	sld [smem:$0x3FB0]  }
0x31: {  	[smem:$0x3FB9] =	sst s10  }
0x32: {  	s10 =	sld [smem:$0x3FB7];
	_ =	sdelay $0x3  }
0x33: {  	p0 =	seq.s32 s10, $0x1;
	s10 =	sld [smem:$0x3FB9];
	_ =	sdelay $0x3  }
0x34: {  	[smem:$0x3FB9] =	sst s10  }
0x35: {  	s10 =	sld [smem:$0x3FB8];
	_ =	sdelay $0x3  }
0x36: {  	p1 =	seq.s32 s10, $0x1;
	s10 =	sld [smem:$0x3FB9];
	_ =	sdelay $0x3  }
0x37: {  	[smem:$0x3FB9] =	sst s10  }
0x38: {  	s10 =	sld [smem:$0x3FBA]  }
0x39: {  	_ = 	snop;
	(pc) =	sbr.ind lr, $3  }
0x3a: {  	_ = 	snop  }
0x3b: {  	_ = 	snop  }
0x3c: {  	p2 =	seq.s32 s10, $0x1;
	s10 =	sld [smem:$0x3FB9]  }
0x3d: {  	_ =	shalt  }
0x3e: {  	_ =	shalt  }
0x3f: {  	_ =	shalt  }
0x40: {  	_ =	shalt  }
0x41: {  	_ =	shalt  }
0x42: {  	_ =	shalt  }
0x43: {  	_ =	shalt  }
0x44: {  	_ =	shalt  }
0x45: {  	_ =	shalt  }
0x46: {  	_ =	shalt  }
0x47: {  	_ =	shalt  }
0x48: {  	_ =	shalt  }
0x49: {  	_ =	shalt  }
0x4a: {  	_ =	shalt  }
0x4b: {  	_ =	shalt  }
0x4c: {  	_ =	shalt  }
0x4d: {  	_ =	shalt  }
0x4e: {  	_ =	shalt  }
0x4f: {  	_ =	shalt  }
0x50: {  	_ =	shalt  }
0x51: {  	_ =	shalt  }
0x52: {  	_ =	shalt  }
0x53: {  	_ =	shalt  }
0x54: {  	_ =	shalt  }
0x55: {  	_ =	shalt  }
0x56: {  	_ =	shalt  }
0x57: {  	_ =	shalt  }
0x58: {  	_ =	shalt  }
0x59: {  	_ =	shalt  }
0x5a: {  	_ =	shalt  }
0x5b: {  	_ =	shalt  }
0x5c: {  	_ =	shalt  }
0x5d: {  	_ =	shalt  }
0x5e: {  	_ =	shalt  }
0x5f: {  	_ =	shalt  }
0x60: {  	_ =	shalt  }
0x61: {  	_ =	shalt  }
0x62: {  	_ =	shalt  }
0x63: {  	_ =	shalt  }
0x64: {  	_ =	shalt  }
0x65: {  	_ =	shalt  }
0x66: {  	_ =	shalt  }
0x67: {  	_ =	shalt  }
0x68: {  	_ =	shalt  }
0x69: {  	_ =	shalt  }
0x6a: {  	_ =	shalt  }
0x6b: {  	_ =	shalt  }
0x6c: {  	_ =	shalt  }
0x6d: {  	_ =	shalt  }
0x6e: {  	_ =	shalt  }
0x6f: {  	_ =	shalt  }
0x70: {  	_ =	shalt  }
0x71: {  	_ =	shalt  }
0x72: {  	_ =	shalt  }
0x73: {  	_ =	shalt  }
0x74: {  	_ =	shalt  }
0x75: {  	_ =	shalt  }
0x76: {  	_ =	shalt  }
0x77: {  	_ =	shalt  }
0x78: {  	_ =	shalt  }
0x79: {  	_ =	shalt  }
0x7a: {  	_ =	shalt  }
0x7b: {  	_ =	shalt  }
0x7c: {  	_ =	shalt  }
0x7d: {  	_ =	shalt  }
0x7e: {  	_ =	shalt  }
0x7f: {  	_ =	shalt  }
0x80: {  	_ =	shalt  }
0x81: {  	_ =	shalt  }
0x82: {  	_ =	shalt  }
0x83: {  	_ =	shalt  }
0x84: {  	_ =	shalt  }
0x85: {  	_ =	shalt  }
0x86: {  	_ =	shalt  }
0x87: {  	_ =	shalt  }
.Lfunc_end0:
.L_simem_size_0:
called_computation_lowered:
.L_overlay_start_0:
0x88: {  	s2 =	sld [smem:$0x3FD9]  }
0x89: {  	s3 =	sld [smem:$0x3FFE];
	_ =	sdelay $0x1  }
0x8a: {  	s1 =	srdreg.scid  }
0x8b: {  	s0 =	sand.u32 $0x1, s1  }
0x8c: {  	s17 =	sshll.u32 s0, $0xA;
	s2 =	sadd.s32 s3, s2  }
0x8d: {  	s2 =	sadd.s32 s2, s17  }
0x8e: {  	[smem:$0x3FC5] =	sst s2  }
0x8f: {  	_ = 	snop  }
0x90: {  	s2 =	sld [smem:$0x3FC9]  }
0x91: {  	s18 =	sld [smem:$0x3FD0];
	(tm) =	ssettm $0x1  }
0x92: {  	s4 =	sld [smem:$0x3FFB];
	_ =	sdelay $0x3  }
0x93: {  	_ =	strace s4  }
0x94: {  	s4 =	sld [smem:$0x3FFC];
	_ =	sdelay $0x3  }
0x95: {  	_ =	strace s4  }
0x96: {  	s4 =	sld [smem:$0x3FFD];
	_ =	sdelay $0x3  }
0x97: {  	_ =	strace s4  }
0x98: {  	_ =	strace $0x8FFFFFFF  }
0x99: {  	s19 =	sld [smem:$0x3FDB];
	_ =	sdelay $0x1  }
0x9a: {  	s5 =	simm.s32 $_scs_section_size  }
0x9b: {  	s6 =	simm.s32 $_size__tile_overlayer_lowered;
	s7 =	simm.s32 $_tile_overlayer_lowered  }
0x9c: {  	s22 =	simm.s32 $0x1BFF;
	s21 =	sshll.u32 s7, $0x1;
	s4 =	sadd.s32 s5, s19  }
0x9d: {  	s8 =	simm.s32 $0x0;
	s20 =	sshll.u32 s6, $0x1;
	s6 =	sadd.s32 s21, s4  }
0x9e: {  	[timem:s8], [sflag:s22] =	dma.local [hbm:s6], s20  }
0x9f: {  	_ =	swait.ge [sflag:s22], s20  }
0xa0: {  	s5 =	ssub.s32 $0x0, s20;
	[sflag:s22] =	ssyncset.done $0x0  }
0xa1: {  	[sflag:s22] =	ssyncadd.s32 s5;
	_ =	sdelay $0x1  }
0xa2: {  	s23 =	simm.s32 $0x1B8B  }
0xa3: {  	_ =	swait.ge [sflag:s23], $0x1  }
0xa4: {  	[sflag:s23] =	ssyncset.done $0x0  }
0xa5: {  	s25 =	simm.s32 $0x1B8E;
	s24 =	sld [smem:$0x3FFE];
	[sflag:s23] =	ssyncadd.s32 $0xFFFFFFFF  }
0xa6: {  	s26 =	simm.s32 $execute0_lowered;
	[smem:$0x3FD2] =	sst s25  }
0xa7: {  	s6 =	sshll.u32 s26, $0x1;
	_ =	strace $0x80000046;
	[dreg:$0x1] =	wrdreg $0xFFFFFFFF  }
0xa8: {  	s28 =	simm.s32 $_size_execute0_lowered;
	s4 =	sadd.s32 s4, s6;
	[dreg:$0x0] =	wrdreg $0x0  }
0xa9: {  	s6 =	sshll.u32 s28, $0x1;
	[dreg:$0x2] =	wrdreg s4  }
0xaa: {  	[dreg:$0x3] =	wrdreg s6  }
0xab: {  	[dreg:$0x4] =	wrdreg $0xC0  }
0xac: {  	_ =	task [dreg:s8], $0x5FFFF  }
0xad: {  	[dreg:$0x1] =	wrdreg $0xFFFFFFFF  }
0xae: {  	[dreg:$0x0] =	wrdreg $0x60  }
0xaf: {  	[dreg:$0x2] =	wrdreg s2  }
0xb0: {  	[dreg:$0x3] =	wrdreg s24  }
0xb1: {  	[dreg:$0x4] =	wrdreg s18  }
0xb2: {  	[dreg:$0x5] =	wrdreg $0x9  }
0xb3: {  	_ =	task.clear_ibuf [dreg:s8], $0x6FFFF;
	_ =	strace $0x90000046  }
0xb4: {  	s29 =	simm.s32 $0x9;
	_ =	strace $0x80000048  }
0xb5: {  	_ =	swait.ge [sflag:s29], $0x1  }
0xb6: {  	[sflag:s29] =	ssyncadd.s32 $0xFFFFFFFF  }
0xb7: {  	_ =	strace $0x90000048  }
0xb8: {  	_ =	sfence  }
0xb9: {  	s30 =	sld [smem:$0x0];
	_ =	sdelay $0x2  }
0xba: {  	s31 =	sshll.u32 s1, $0xD;
	s1 =	sshrl.u32 s1, $0x2  }
0xbb: {  	s3 =	sand.u32 $0x4000, s31;
	s1 =	sadd.s32 s1, s30  }
0xbc: {  	s0 =	sor.u32 s3, s0;
	s1 =	sshll.u32 s1, $0x11  }
0xbd: {  	s0 =	sor.u32 s1, s0  }
0xbe: {  	s0 =	sadd.s32 $0x8F2B, s0  }
0xbf: {  	[sflag:s0] =	ssyncadd.remote.s32 $0x1  }
0xc0: {  	_ =	sfence.sel $0xFFFF  }
0xc1: {  	[dreg:$0x0] =	wrdreg $0xFFFFFFFF;
	(pc) =	sbr.abs _section_cstart, $3  }
0xc2: {  	[dreg:$0x1] =	wrdreg $0xFFFFFFFF  }
0xc3: {  	_ =	task.clear_ibuf [dreg:s8], $0x2FFFF;
	_ =	strace $0x9FFFFFFF  }
0xc4: {  	(tm) =	ssettm $0x7FFFFFFF  }
0xc5: {  	_ =	shalt  }
tec
execute0_lowered:
.L_overlay_start_1:
0x0: {  	(tag) =	ssettag $0x1  }
0x1: {  	s7 =	rddreg [dreg:$0x0];
	v0 =	vlaneseq.u32  }
0x2: {  	s6 =	rddreg [dreg:$0x1];
	s2 =	simm.s32 $0x0;
	v25 =	vmul.u32 $0x88, v0  }
0x3: {  	vm0 =	vcmask $0x300;
	v0 =	vimm.s32 $0x0;
	[smem:$0x7FF] =	sst s2  }
0x4: {  	s1 =	rddreg [dreg:$0x2];
	v1 =	vsel vm0, $0x3, v0;
	_ =	strace $0x80000047;
	v0 =	vadd.s32 $0x1103, v25;
	[tilespmem:$0x1FFE0] =	vst v25  }
0x5: {  	v3 =	vadd.s32 $0x1980, v25;
	[tilespmem:$0x1FE20] =	vst v0  }
0x6: {  	v19 =	vadd.s32 $0x882, v25;
	[tilespmem:$0x1FE90] =	vst v3  }
0x7: {  	v15 =	vor.u32 $0x3, v25;
	[tilespmem:$0x1FEA0] =	vst v19  }
0x8: {  	v20 =	vadd.s32 $0x883, v25;
	[tilespmem:$0x1FEB0] =	vst v15  }
0x9: {  	v23 =	vadd.s32 $0x1981, v25;
	[tilespmem:$0x1FEC0] =	vst v20  }
0xa: {  	v24 =	vor.u32 $0x2, v25;
	[tilespmem:$0x1FED0] =	vst v23  }
0xb: {  	v31 =	vor.u32 $0x4, v25;
	[tilespmem:$0x1FEE0] =	vst v24  }
0xc: {  	v18 =	vadd.s32 $0x884, v25;
	[tilespmem:$0x1FEF0] =	vst v31  }
0xd: {  	v26 =	vor.u32 $0x5, v25;
	[tilespmem:$0x1FF00] =	vst v18  }
0xe: {  	v27 =	vadd.s32 $0x885, v25;
	[tilespmem:$0x1FF10] =	vst v26  }
0xf: {  	v32 =	vadd.s32 $0x1105, v25;
	[tilespmem:$0x1FF20] =	vst v27  }
0x10: {  	v49 =	vadd.s32 $0x886, v25;
	[tilespmem:$0x1FF30] =	vst v32  }
0x11: {  	v51 =	vadd.s32 $0x1106, v25;
	[tilespmem:$0x1FF40] =	vst v49  }
0x12: {  	v38 =	vor.u32 $0x7, v25;
	[tilespmem:$0x1FF50] =	vst v51  }
0x13: {  	v57 =	vadd.s32 $0x887, v25;
	[tilespmem:$0x1FF60] =	vst v38  }
0x14: {  	v60 =	vadd.s32 $0x1107, v25;
	[tilespmem:$0x1FF70] =	vst v57  }
0x15: {  	v2 =	vadd.s32 $0x1101, v25;
	[tilespmem:$0x1FF80] =	vst v60  }
0x16: {  	v53 =	vadd.s32 $0x1100, v25;
	[tilespmem:$0x1FF90] =	vst v2  }
0x17: {  	v58 =	vadd.s32 $0x1104, v25;
	[tilespmem:$0x1FFA0] =	vst v53  }
0x18: {  	v39 =	vadd.s32 $0x881, v25;
	[tilespmem:$0x1FFB0] =	vst v58  }
0x19: {  	s4 =	srdreg.scid;
	s0 =	stileid.u32;
	v40 =	vadd.s32 $0x880, v25;
	[tilespmem:$0x1FFC0] =	vst v39  }
0x1a: {  	s11 =	simm.s32 $0x4;
	s12 =	simm.s32 $0x6400;
	s13 =	simm.s32 $0x80;
	v30 =	vor.u32 $0x1, v25;
	[tilespmem:$0x1FFD0] =	vst v40  }
0x1b: {  	s14 =	simm.s32 $0x9600;
	s15 =	simm.s32 $0x1;
	s16 =	simm.s32 $0xB600;
	v0 =	vadd.s32 $0x1983, v25;
	[tilespmem:$0x1FFF0] =	vst v30  }
0x1c: {  	s17 =	simm.s32 $0xD600;
	s18 =	simm.s32 $0xF800;
	s19 =	simm.s32 $0x2;
	[tilespmem:$0x1FE30] =	vst v0;
	v0 =	vadd.s32 $0x1984, v25  }
0x1d: {  	s20 =	simm.s32 $0x3;
	s21 =	simm.s32 $0x0;
	s4 =	sand.u32 $0x1, s4;
	[tilespmem:$0x1FE40] =	vst v0;
	v0 =	vadd.s32 $0x1985, v25  }
0x1e: {  	s5 =	sshll.u32 s0, $0xB;
	s8 =	ssub.s32 $0x2, s4;
	s9 =	sshll.u32 s4, $0xA;
	[tilespmem:$0x1FE50] =	vst v0;
	v0 =	vor.u32 $0x6, v25  }
0x1f: {  	s4 =	sadd.s32 $0xC00, s6;
	s10 =	sshrl.u32 s8, $0x1;
	s5 =	sor.u32 s9, s5;
	[tilespmem:$0x1FE60] =	vst v0;
	v0 =	vadd.s32 $0x1986, v25  }
0x20: {  	s6 =	sadd.s32 $0x400, s6;
	s8 =	ssub.s32 s8, s10;
	s9 =	sshrl.u32 s5, $0x3;
	[tilespmem:$0x1FE70] =	vst v0;
	v0 =	vadd.s32 $0x1987, v25  }
0x21: {  	v21 =	vadd.s32 $0x1102, v25;
	v22 =	vadd.s32 $0x1982, v25;
	s10 =	simm.s32 $0x8000;
	s7 =	sadd.s32 s7, s9;
	s8 =	smax.u32 s8, $0x1;
	[tilespmem:$0x1FE80] =	vst v0  }
.LBB2_1:
0x22: {  	s0 =	simm.s32 $0x400  }
0x23: {  	[tilespmem:s2], [sflag:$0x4] =	stream.strided.gather [hbm4b:s7+s0], $0x6400, s10, s0, $0x38;
	[tilespmem:$0x11A00] =	vst v63  }
0x24: {  	_ =	swait.ge [sflag:s11], $0x6400  }
0x25: {  	[sflag:s11] =	ssyncset.done $0x0  }
0x26: {  	[sflag:s11] =	ssyncadd.s32 $0xFFFF9C00  }
0x27: {  	[tilespmem:s12], [sflag:$0x4] =	stream.linear.gather [hbm4b:s6+s2], $0x3200, $0x38;
	[tilespmem:$0x11A00] =	vst v63  }
0x28: {  	_ =	swait.ge [sflag:s11], $0x3200  }
0x29: {  	[sflag:s11] =	ssyncset.done $0x0  }
0x2a: {  	s22 =	simm.s32 $0x0;
	[sflag:s11] =	ssyncadd.s32 $0xFFFFCE00  }
0x2b: {  	[tilespmem:s14], [sflag:$0x1] =	stream.indirect.gather [hbm4b:s4+s13], $0x40, s2, s13, $0xb8;
	[tilespmem:$0x11A00] =	vst v63  }
.LBB2_2:
0x2c: {  	s23 =	sshllo.u32 s22, $0x1  }
0x2d: {  	_ =	swait.ge [sflag:s15], $0x2000;
	s25 =	sshll.u32 s22, $0x8;
	s24 =	sshll.u32 s23, $0x7  }
0x2e: {  	[sflag:s15] =	ssyncset.done $0x0;
	s25 =	sand.u32 $0x7C00, s25;
	s24 =	sand.u32 $0x380, s24  }
0x2f: {  	p0 =	seq.s32 s22, $0x0;
	[sflag:s15] =	ssyncadd.s32 $0xFFFFE000;
	s24 =	sor.u32 s24, s25  }
0x30: {  	[tilespmem:s16], [sflag:$0x1] =	stream.indirect.gather [hbm4b:s4+s13], $0x40, s24, s13, $0xb8;
	[tilespmem:$0x11A00] =	vst v63  }
0x31: {  	s30 =	simm.s32 $0x1;
	s24 =	simm.s32 @!p0 $0x2  }
0x32: {  	s9 =	simm.s32 $0x4;
	v5 =	vmov s30;
	_ =	swait.ge @!p0 [sflag:s24], $0x2000  }
0x33: {  	s0 =	sshll.u32 s22, $0x7;
	s26 =	simm.s32 $0x7;
	v3 =	vmov s9;
	v5 =	vshrl.u32 v5, $0x3;
	[sflag:s24] =	ssyncset.done @!p0 $0x0  }
0x34: {  	v45 =	vmovc v2;
	s29 =	simm.s32 $0x2;
	v2 =	vmov s26;
	v3 =	vshrl.u32 v3, $0x3;
	v5 =	vshll.u32 v5, v1;
	[sflag:s24] =	ssyncadd.s32 @!p0 $0xFFFFE000;
	s24 =	sand.u32 $0x3FFFFF80, s0  }
0x35: {  	s31 =	simm.s32 $0x3;
	v6 =	vmov s29;
	s26 =	simm.s32 $0x9700;
	v3 =	vshll.u32 v3, v1;
	v5 =	vbroadcast v5, $0x0;
	v36 =	vld [tilespmem:s24+$0x6400]  }
0x36: {  	v6 =	vshrl.u32 v6, $0x3;
	v44 =	vbroadcast v3, $0x0;
	v3 =	vmov s31;
	v7 =	vld [tilespmem:s26+$0x0]  }
0x37: {  	v6 =	vshll.u32 v6, v1;
	v3 =	vshrl.u32 v3, $0x3;
	v11 =	vadd.s32 v23, v5;
	v8 =	vld [tilespmem:s26+$0xFFFFFF40]  }
0x38: {  	v37 =	vbroadcast v6, $0x0;
	v6 =	vadd.s32 v31, v44;
	v3 =	vshll.u32 v3, v1;
	v9 =	vld [tilespmem:s26+$0xFFFFFF80];
	[tilespmem:$0x1FDD0] =	vst v11  }
0x39: {  	s3 =	simm.s32 $0x0;
	v10 =	vadd.s32 v30, v5;
	v56 =	vbroadcast v3, $0x0;
	v11 =	vld [tilespmem:s26+$0xFFFFFFC0]  }
0x3a: {  	v0 =	vmov s3;
	v12 =	vadd.s32 v24, v37  }
0x3b: {  	s28 =	simm.s32 $0x5;
	v0 =	vshrl.u32 v0, $0x3;
	v35 =	vld [tilespmem:s24+$0x6410];
	v15 =	vadd.s32 v15, v56;
	v7 =	vadd.f32 v7, v36  }
0x3c: {  	v4 =	vmov s28;
	v17 =	vshll.u32 v0, v1;
	v34 =	vld [tilespmem:s24+$0x6420];
	v0 =	vadd.f32 v8, v36  }
0x3d: {  	v4 =	vshrl.u32 v4, $0x3;
	v33 =	vld [tilespmem:s24+$0x6430];
	v9 =	vadd.f32 v9, v36;
	[tilespmem:v6+s17+$0x0] =	vst.idx.msk $0xffff, v7  }
0x3e: {  	v4 =	vshll.u32 v4, v1;
	v13 =	vld [tilespmem:s26+$0xC0];
	[tilespmem:v10+s17+$0x0] =	vst.idx.msk $0xffff, v0;
	v7 =	vadd.f32 v11, v36  }
0x3f: {  	s29 =	simm.s32 $0x9;
	v2 =	vshrl.u32 v2, $0x3;
	v55 =	vbroadcast v4, $0x0;
	[tilespmem:v12+s17+$0x0] =	vst.idx.msk $0xffff, v9;
	v4 =	vld [tilespmem:s26+$0xFFFFFF50]  }
0x40: {  	v59 =	vmov s29;
	v2 =	vshll.u32 v2, v1;
	v10 =	vld [tilespmem:s26+$0xFFFFFF90];
	[tilespmem:v15+s17+$0x0] =	vst.idx.msk $0xffff, v7  }
0x41: {  	v59 =	vshrl.u32 v59, $0x3;
	v50 =	vbroadcast v2, $0x0;
	v54 =	vbroadcast v17, $0x0;
	s0 =	simm.s32 $0x6;
	v29 =	vld [tilespmem:$0x1FE60]  }
0x42: {  	v62 =	vshll.u32 v59, v1;
	v17 =	vadd.s32 v19, v37;
	v14 =	vmov s0;
	v61 =	vld [tilespmem:$0x1FE20]  }
0x43: {  	v41 =	vadd.s32 v25, v54;
	v46 =	vadd.s32 v40, v54;
	v16 =	vld [tilespmem:s26+$0x80];
	v8 =	vshrl.u32 v14, $0x3  }
0x44: {  	v40 =	vadd.s32 v26, v55;
	v45 =	vadd.s32 v45, v5;
	v3 =	vld [tilespmem:s26+$0xFFFFFF00];
	v8 =	vshll.u32 v8, v1  }
0x45: {  	v2 =	vadd.s32 v32, v55;
	v47 =	vadd.s32 v21, v37;
	v14 =	vld [tilespmem:s26+$0x40];
	v52 =	vbroadcast v8, $0x0  }
0x46: {  	v8 =	vadd.f32 v13, v36;
	v9 =	vadd.s32 v39, v5;
	v6 =	vld [tilespmem:s26+$0x10];
	v0 =	vmovc v39;
	v39 =	vadd.f32 v4, v35  }
0x47: {  	v13 =	vld [tilespmem:s26+$0xFFFFFFD0];
	[tilespmem:$0x1FE00] =	vst v2;
	v4 =	vadd.f32 v10, v35;
	v7 =	vadd.s32 v29, v52;
	v28 =	vadd.s32 v61, v56  }
0x48: {  	v43 =	vadd.s32 v20, v56;
	v16 =	vadd.f32 v16, v36;
	v11 =	vadd.s32 v18, v44;
	[tilespmem:$0x1FDE0] =	vst v28  }
0x49: {  	s24 =	simm.s32 $0x9900;
	v12 =	vadd.s32 v27, v55;
	v2 =	vadd.s32 v51, v52;
	[tilespmem:v17+s17+$0x0] =	vst.idx.msk $0xffff, v4  }
0x4a: {  	s28 =	simm.s32 $0xF;
	v15 =	vadd.s32 v38, v50;
	v42 =	vadd.s32 v49, v52;
	v48 =	vld [tilespmem:s24+$0xFFFFFF40];
	[tilespmem:$0x1FDF0] =	vst v2;
	v2 =	vadd.s32 v53, v54  }
0x4b: {  	s9 =	simm.s32 $0xC;
	v14 =	vadd.f32 v14, v36;
	v17 =	vadd.s32 v58, v44;
	v58 =	vmov s28;
	s28 =	simm.s32 $0xA;
	[tilespmem:$0x1FE10] =	vst v2  }
0x4c: {  	v26 =	vmovc v49;
	v13 =	vadd.f32 v13, v35;
	v49 =	vld [tilespmem:s26+$0xFFFFFFA0];
	[tilespmem:v7+s17+$0x0] =	vst.idx.msk $0xffff, v16;
	v7 =	vmov s9;
	v16 =	vmov s28  }
0x4d: {  	v28 =	vmovc v38;
	v38 =	vadd.f32 v6, v35;
	[tilespmem:v9+s17+$0x0] =	vst.idx.msk $0xffff, v39;
	v16 =	vshrl.u32 v16, $0x3;
	v59 =	vld [tilespmem:s26+$0x90];
	v7 =	vshrl.u32 v7, $0x3  }
0x4e: {  	[tilespmem:v40+s17+$0x0] =	vst.idx.msk $0xffff, v14;
	v14 =	vshll.u32 v16, v1;
	v16 =	vld [tilespmem:s26+$0xFFFFFF60];
	v7 =	vshll.u32 v7, v1  }
0x4f: {  	v20 =	vmovc v60;
	v4 =	vmovc v27;
	v27 =	vmov v51;
	v51 =	vbroadcast v62, $0x0;
	[tilespmem:v11+s17+$0x0] =	vst.idx.msk $0xffff, v38;
	v62 =	vld [tilespmem:s24+$0x0];
	v40 =	vbroadcast v7, $0x0  }
0x50: {  	s3 =	simm.s32 $0x8;
	v3 =	vadd.f32 v3, v36;
	v6 =	vadd.s32 v60, v50;
	v60 =	vld [tilespmem:s24+$0xFFFFFF80];
	[tilespmem:v43+s17+$0x0] =	vst.idx.msk $0xffff, v13;
	v39 =	vbroadcast v14, $0x0  }
0x51: {  	v53 =	vmov s3;
	[tilespmem:v15+s17+$0x0] =	vst.idx.msk $0xffff, v8;
	v14 =	vadd.f32 v49, v34;
	v8 =	vadd.s32 v31, v40  }
0x52: {  	v13 =	vshrl.u32 v53, $0x3;
	[tilespmem:v41+s17+$0x0] =	vst.idx.msk $0xffff, v3;
	v53 =	vadd.s32 v24, v39;
	v15 =	vadd.f32 v59, v35  }
0x53: {  	v49 =	vshrl.u32 v58, $0x3;
	v58 =	vadd.s32 v30, v51;
	[tilespmem:v47+s17+$0x0] =	vst.idx.msk $0xffff, v14;
	v16 =	vadd.f32 v16, v34  }
0x54: {  	s30 =	simm.s32 $0xB;
	v59 =	vadd.f32 v62, v36;
	[tilespmem:v42+s17+$0x0] =	vst.idx.msk $0xffff, v15  }
0x55: {  	v63 =	vmov s30;
	v3 =	vadd.f32 v60, v36;
	[tilespmem:v45+s17+$0x0] =	vst.idx.msk $0xffff, v16  }
0x56: {  	v43 =	vshrl.u32 v63, $0x3;
	v63 =	vadd.f32 v48, v36;
	v7 =	vld [tilespmem:s24+$0xFFFFFF00];
	[tilespmem:v8+s17+$0x0] =	vst.idx.msk $0xffff, v59  }
0x57: {  	v11 =	vld [tilespmem:s26+$0x50];
	[tilespmem:v53+s17+$0x0] =	vst.idx.msk $0xffff, v3  }
0x58: {  	s31 =	simm.s32 $0xE;
	v42 =	vld [tilespmem:s26+$0xD0];
	[tilespmem:v58+s17+$0x0] =	vst.idx.msk $0xffff, v63  }
0x59: {  	v30 =	vadd.s32 v0, v51;
	v15 =	vmov s31;
	v0 =	vld [tilespmem:$0x1FEB0]  }
0x5a: {  	v10 =	vadd.s32 v57, v50;
	v60 =	vld [tilespmem:s26+$0xFFFFFF10];
	v15 =	vshrl.u32 v15, $0x3  }
0x5b: {  	v48 =	vadd.f32 v7, v36;
	v16 =	vld [tilespmem:s26+$0x20];
	v7 =	vshll.u32 v15, v1;
	v15 =	vshll.u32 v43, v1  }
0x5c: {  	v62 =	vld [tilespmem:s24+$0xFFFFFFC0];
	v43 =	vbroadcast v15, $0x0  }
0x5d: {  	v11 =	vadd.f32 v11, v35  }
0x5e: {  	s29 =	simm.s32 $0xD;
	v3 =	vadd.f32 v42, v35;
	v8 =	vadd.s32 v0, v43  }
0x5f: {  	v9 =	vmov s29;
	[tilespmem:v12+s17+$0x0] =	vst.idx.msk $0xffff, v11;
	v11 =	vadd.f32 v60, v35  }
0x60: {  	v9 =	vshrl.u32 v9, $0x3;
	[tilespmem:v10+s17+$0x0] =	vst.idx.msk $0xffff, v3;
	v3 =	vadd.f32 v16, v34  }
0x61: {  	v9 =	vshll.u32 v9, v1;
	v12 =	vadd.f32 v62, v36;
	v0 =	vld [tilespmem:$0x1FE40];
	[tilespmem:v46+s17+$0x0] =	vst.idx.msk $0xffff, v11  }
0x62: {  	v41 =	vbroadcast v7, $0x0;
	v42 =	vbroadcast v9, $0x0;
	[tilespmem:v17+s17+$0x0] =	vst.idx.msk $0xffff, v3  }
0x63: {  	v47 =	vshll.u32 v49, v1;
	[tilespmem:v8+s17+$0x0] =	vst.idx.msk $0xffff, v12  }
0x64: {  	v45 =	vbroadcast v47, $0x0;
	v59 =	vadd.s32 v29, v41;
	v29 =	vmovc v4;
	v47 =	vadd.s32 v4, v42;
	v4 =	vld [tilespmem:$0x1FE50];
	_ =	sdelay $0x3  }
0x65: {  	v10 =	vld [tilespmem:s26+$0xE0]  }
0x66: {  	v60 =	vadd.s32 v4, v55;
	v4 =	vld [tilespmem:$0x1FDD0]  }
0x67: {  	v7 =	vld [tilespmem:s26+$0xFFFFFF70];
	_ =	sdelay $0x2  }
0x68: {  	v9 =	vld [tilespmem:s26+$0xA0]  }
0x69: {  	v10 =	vadd.f32 v10, v34  }
0x6a: {  	v7 =	vadd.f32 v7, v33  }
0x6b: {  	[tilespmem:v6+s17+$0x0] =	vst.idx.msk $0xffff, v10  }
0x6c: {  	v2 =	vld [tilespmem:s26+$0xFFFFFFB0];
	[tilespmem:v4+s17+$0x0] =	vst.idx.msk $0xffff, v7  }
0x6d: {  	v12 =	vadd.f32 v9, v34;
	v9 =	vld [tilespmem:$0x1FDE0]  }
0x6e: {  	v16 =	vld [tilespmem:s26+$0xFFFFFFE0];
	_ =	sdelay $0x4  }
0x6f: {  	v46 =	vadd.s32 v61, v43;
	v61 =	vadd.f32 v2, v33;
	v2 =	vadd.f32 v16, v34;
	_ =	sdelay $0x1  }
0x70: {  	[tilespmem:v9+s17+$0x0] =	vst.idx.msk $0xffff, v2  }
0x71: {  	v2 =	vld [tilespmem:$0x1FE30];
	_ =	sdelay $0x4  }
0x72: {  	v9 =	vadd.s32 v2, v56;
	v2 =	vld [tilespmem:$0x1FEC0];
	_ =	sdelay $0x3  }
0x73: {  	v5 =	vld [tilespmem:s24+$0x80]  }
0x74: {  	v63 =	vadd.s32 v2, v43;
	v2 =	vld [tilespmem:$0x1FDF0];
	_ =	sdelay $0x3  }
0x75: {  	v8 =	vadd.f32 v5, v36;
	v5 =	vld [tilespmem:s26+$0x30];
	_ =	sdelay $0x3  }
0x76: {  	v11 =	vld [tilespmem:s26+$0x60];
	[tilespmem:v2+s17+$0x0] =	vst.idx.msk $0xffff, v12  }
0x77: {  	v12 =	vadd.f32 v5, v33;
	v5 =	vld [tilespmem:$0x1FE80];
	_ =	sdelay $0x4  }
0x78: {  	v10 =	vadd.f32 v11, v34;
	v11 =	vadd.s32 v5, v50;
	v5 =	vld [tilespmem:$0x1FE00];
	_ =	sdelay $0x7  }
0x79: {  	v17 =	vld [tilespmem:s24+$0xFFFFFF50];
	[tilespmem:v5+s17+$0x0] =	vst.idx.msk $0xffff, v10  }
0x7a: {  	v0 =	vadd.s32 v0, v44;
	v5 =	vld [tilespmem:$0x1FE70]  }
0x7b: {  	v14 =	vld [tilespmem:s24+$0x40]  }
0x7c: {  	v15 =	vld [tilespmem:s24+$0x10]  }
0x7d: {  	v7 =	vld [tilespmem:s24+$0xFFFFFF90]  }
0x7e: {  	v4 =	vadd.f32 v17, v35;
	v17 =	vld [tilespmem:s26+$0xFFFFFF20]  }
0x7f: {  	v10 =	vadd.s32 v5, v52;
	v5 =	vld [tilespmem:$0x1FE90];
	[tilespmem:v0+s17+$0x0] =	vst.idx.msk $0xffff, v12  }
0x80: {  	v18 =	vadd.s32 v18, v40;
	v0 =	vld [tilespmem:$0x1FFD0]  }
0x81: {  	v2 =	vld [tilespmem:s26+$0xF0]  }
0x82: {  	v13 =	vshll.u32 v13, v1  }
0x83: {  	v49 =	vld [tilespmem:s24+$0xC0];
	v44 =	vbroadcast v13, $0x0;
	v13 =	vadd.f32 v15, v35  }
0x84: {  	v53 =	vadd.s32 v28, v45;
	v62 =	vadd.f32 v14, v36;
	v14 =	vadd.f32 v7, v35;
	v28 =	vld [tilespmem:$0x1FF10]  }
0x85: {  	v5 =	vadd.s32 v5, v54;
	v54 =	vadd.s32 v0, v44;
	v0 =	vld [tilespmem:$0x1FF90];
	[tilespmem:v18+s17+$0x0] =	vst.idx.msk $0xffff, v13  }
0x86: {  	v7 =	vadd.f32 v17, v34;
	v17 =	vadd.f32 v2, v33;
	v2 =	vld [tilespmem:$0x1FE10]  }
0x87: {  	v6 =	vld [tilespmem:s24+$0xFFFFFFD0];
	_ =	sdelay $0x3  }
0x88: {  	v38 =	vadd.s32 v23, v51;
	v49 =	vadd.f32 v49, v36;
	v58 =	vadd.s32 v26, v41  }
0x89: {  	v3 =	vadd.s32 v19, v39;
	v55 =	vadd.s32 v25, v44;
	v6 =	vadd.f32 v6, v35;
	v15 =	vld [tilespmem:s26+$0xFFFFFFF0]  }
0x8a: {  	v56 =	vadd.s32 v57, v45;
	v50 =	vadd.s32 v32, v42;
	v12 =	vld [tilespmem:s26+$0xB0];
	[tilespmem:v30+s17+$0x0] =	vst.idx.msk $0xffff, v4  }
0x8b: {  	v52 =	vadd.s32 v20, v45;
	v16 =	vadd.s32 v28, v42;
	[tilespmem:v2+s17+$0x0] =	vst.idx.msk $0xffff, v7;
	v2 =	vld [tilespmem:s26+$0x70]  }
0x8c: {  	s25 =	sshll.u32 s22, $0x1;
	s28 =	simm.s32 $0x10;
	s29 =	simm.s32 $0x9B00;
	v4 =	vadd.s32 v21, v39;
	v0 =	vadd.s32 v0, v51;
	v51 =	vadd.s32 v27, v41;
	v27 =	vmovc v31;
	v13 =	vld [tilespmem:s26+$0xFFFFFF30]  }
.LBB2_3:
0x8d: {  	_ =	sdelay $0x1  }
0x8e: {  	v18 =	vld [tilespmem:s29+$0xFFFFFF40];
	s31 =	smov.u32 s28;
	[tilespmem:v59+s17+$0x0] =	vst.idx.msk $0xffff, v8  }
0x8f: {  	v7 =	vld [tilespmem:$0x1FFA0];
	[tilespmem:v3+s17+$0x0] =	vst.idx.msk $0xffff, v14;
	s9 =	sadd.s32 $0x2, s31  }
0x90: {  	v30 =	vmovc v21;
	v21 =	vadd.s32 v22, v37;
	[tilespmem:v11+s17+$0x0] =	vst.idx.msk $0xffff, v17;
	v8 =	vld [tilespmem:s29+$0x80];
	v17 =	vmov s9;
	v3 =	vadd.f32 v15, v33  }
0x91: {  	[tilespmem:v16+s17+$0x0] =	vst.idx.msk $0xffff, v62;
	v20 =	vld [tilespmem:s24+$0xFFFFFFA0];
	v16 =	vshrl.u32 v17, $0x3;
	v12 =	vadd.f32 v12, v33  }
0x92: {  	[tilespmem:v9+s17+$0x0] =	vst.idx.msk $0xffff, v3;
	v9 =	vshll.u32 v16, v1;
	v16 =	vld [tilespmem:s24+$0x90]  }
0x93: {  	[tilespmem:v10+s17+$0x0] =	vst.idx.msk $0xffff, v12;
	v12 =	vld [tilespmem:s24+$0xFFFFFF60]  }
0x94: {  	s30 =	sadd.s32 $0x7, s28;
	v26 =	vld [tilespmem:$0x1FF60];
	s0 =	sadd.s32 $0x4, s31;
	v3 =	vadd.f32 v2, v33  }
0x95: {  	v37 =	vmovc v39;
	v31 =	vmovc v22;
	v19 =	vmov s30;
	s30 =	sadd.s32 $0x1, s31;
	v14 =	vmov s0;
	v22 =	vld [tilespmem:s29+$0xFFFFFF80];
	[tilespmem:v21+s17+$0x0] =	vst.idx.msk $0xffff, v61;
	v39 =	vbroadcast v9, $0x0  }
0x96: {  	v59 =	vmov s31;
	v11 =	vmov s30;
	v17 =	vld [tilespmem:s24+$0x50];
	v10 =	vshrl.u32 v14, $0x3;
	[tilespmem:v60+s17+$0x0] =	vst.idx.msk $0xffff, v3  }
0x97: {  	v14 =	vld [tilespmem:$0x1FFF0];
	v3 =	vshll.u32 v10, v1;
	v10 =	vadd.f32 v20, v34;
	v21 =	vadd.s32 v24, v39  }
0x98: {  	s3 =	sadd.s32 $0x5, s31;
	v11 =	vshrl.u32 v11, $0x3;
	v57 =	vadd.s32 v7, v44;
	v7 =	vld [tilespmem:$0x1FFB0];
	v12 =	vadd.f32 v12, v34  }
0x99: {  	v15 =	vmov s3;
	v2 =	vshll.u32 v11, v1;
	v20 =	vld [tilespmem:s29+$0x0];
	v3 =	vbroadcast v3, $0x0;
	[tilespmem:v4+s17+$0x0] =	vst.idx.msk $0xffff, v10  }
0x9a: {  	v13 =	vadd.f32 v13, v33;
	v61 =	vld [tilespmem:s29+$0xC0];
	v2 =	vbroadcast v2, $0x0;
	[tilespmem:v0+s17+$0x0] =	vst.idx.msk $0xffff, v12;
	v12 =	vadd.f32 v22, v36  }
0x9b: {  	s26 =	sadd.s32 $0x6, s31;
	v15 =	vshrl.u32 v15, $0x3;
	v11 =	vshrl.u32 v19, $0x3;
	[tilespmem:v63+s17+$0x0] =	vst.idx.msk $0xffff, v6;
	v6 =	vadd.s32 v27, v3;
	v0 =	vld [tilespmem:s24+$0xFFFFFFB0]  }
0x9c: {  	v4 =	vadd.f32 v18, v36;
	v18 =	vmov s26;
	v14 =	vadd.s32 v14, v2;
	[tilespmem:v21+s17+$0x0] =	vst.idx.msk $0xffff, v12;
	v21 =	vld [tilespmem:$0x1FE60]  }
0x9d: {  	s31 =	sadd.s32 $0x3, s31;
	[tilespmem:v5+s17+$0x0] =	vst.idx.msk $0xffff, v13;
	v13 =	vshrl.u32 v59, $0x3;
	v60 =	vld [tilespmem:s24+$0x20];
	v16 =	vadd.f32 v16, v35;
	v18 =	vshrl.u32 v18, $0x3  }
0x9e: {  	v59 =	vmov s31;
	v9 =	vld [tilespmem:s29+$0x40];
	v18 =	vshll.u32 v18, v1;
	v20 =	vadd.f32 v20, v36  }
0x9f: {  	v15 =	vshll.u32 v15, v1;
	v11 =	vshll.u32 v11, v1;
	[tilespmem:v58+s17+$0x0] =	vst.idx.msk $0xffff, v16;
	v18 =	vbroadcast v18, $0x0;
	v22 =	vld [tilespmem:s24+$0xFFFFFF70]  }
0xa0: {  	v59 =	vshrl.u32 v59, $0x3;
	v7 =	vadd.s32 v7, v40;
	[tilespmem:v6+s17+$0x0] =	vst.idx.msk $0xffff, v20;
	v6 =	vbroadcast v15, $0x0;
	v15 =	vld [tilespmem:s24+$0xA0]  }
0xa1: {  	v63 =	vshll.u32 v59, v1;
	[tilespmem:v14+s17+$0x0] =	vst.idx.msk $0xffff, v4;
	v14 =	vld [tilespmem:$0x1FE40];
	v59 =	vadd.s32 v21, v18;
	v21 =	vbroadcast v11, $0x0  }
0xa2: {  	v17 =	vadd.f32 v17, v35;
	v11 =	vld [tilespmem:$0x1FF00]  }
0xa3: {  	[tilespmem:v53+s17+$0x0] =	vst.idx.msk $0xffff, v49;
	v58 =	vadd.f32 v60, v34;
	v53 =	vadd.s32 v26, v21;
	v26 =	vld [tilespmem:$0x1FE50]  }
0xa4: {  	[tilespmem:v47+s17+$0x0] =	vst.idx.msk $0xffff, v17;
	v12 =	vld [tilespmem:s29+$0x10]  }
0xa5: {  	[tilespmem:v7+s17+$0x0] =	vst.idx.msk $0xffff, v58;
	v7 =	vld [tilespmem:s24+$0x60]  }
0xa6: {  	v5 =	vld [tilespmem:s29+$0xFFFFFF00];
	[tilespmem:v55+s17+$0x0] =	vst.idx.msk $0xffff, v48  }
0xa7: {  	v55 =	vld [tilespmem:s24+$0xFFFFFF10];
	v19 =	vadd.s32 v23, v2;
	v23 =	vadd.s32 v11, v3  }
0xa8: {  	v10 =	vld [tilespmem:s29+$0xFFFFFFC0];
	v11 =	vadd.s32 v29, v6;
	v60 =	vadd.s32 v26, v42;
	v42 =	vmovc v6;
	v6 =	vadd.f32 v22, v33  }
0xa9: {  	v49 =	vadd.f32 v61, v36;
	v61 =	vadd.f32 v0, v33;
	v24 =	vadd.s32 v14, v40;
	v14 =	vld [tilespmem:s29+$0xFFFFFF50]  }
0xaa: {  	v0 =	vadd.f32 v15, v34;
	[tilespmem:v38+s17+$0x0] =	vst.idx.msk $0xffff, v6;
	v6 =	vadd.f32 v7, v34;
	v7 =	vld [tilespmem:$0x1FF40]  }
0xab: {  	v16 =	vld [tilespmem:s24+$0xD0]  }
0xac: {  	[tilespmem:v51+s17+$0x0] =	vst.idx.msk $0xffff, v0;
	v0 =	vld [tilespmem:$0x1FE80]  }
0xad: {  	v40 =	vmov v3;
	v3 =	vld [tilespmem:$0x1FEB0]  }
0xae: {  	v5 =	vadd.f32 v5, v36;
	v47 =	vmov v11;
	v11 =	vld [tilespmem:s24+$0x30]  }
0xaf: {  	v58 =	vadd.s32 v7, v18;
	v7 =	vld [tilespmem:$0x1FE30]  }
0xb0: {  	v48 =	vmov v5;
	v5 =	vbroadcast v63, $0x0;
	v16 =	vadd.f32 v16, v35  }
0xb1: {  	v62 =	vadd.f32 v9, v36;
	v9 =	vadd.f32 v55, v35  }
0xb2: {  	v4 =	vadd.f32 v10, v36;
	v10 =	vld [tilespmem:s24+$0xFFFFFFE0];
	[tilespmem:v56+s17+$0x0] =	vst.idx.msk $0xffff, v16;
	v16 =	vadd.s32 v3, v5  }
0xb3: {  	[tilespmem:v54+s17+$0x0] =	vst.idx.msk $0xffff, v9;
	v3 =	vld [tilespmem:$0x1FE20]  }
0xb4: {  	v9 =	vadd.s32 v7, v43;
	v7 =	vadd.f32 v11, v33;
	v11 =	vadd.s32 v0, v45;
	v0 =	vld [tilespmem:$0x1FF70];
	_ =	sdelay $0x2  }
0xb5: {  	v10 =	vadd.f32 v10, v34;
	[tilespmem:v16+s17+$0x0] =	vst.idx.msk $0xffff, v4  }
0xb6: {  	v56 =	vadd.s32 v3, v5;
	v16 =	vld [tilespmem:s29+$0xFFFFFFD0];
	v45 =	vmov v21  }
0xb7: {  	[tilespmem:v46+s17+$0x0] =	vst.idx.msk $0xffff, v10;
	v46 =	vmov v56;
	v56 =	vadd.s32 v0, v45;
	v0 =	vld [tilespmem:$0x1FE70];
	_ =	sdelay $0x3  }
0xb8: {  	v43 =	vmov v5;
	v5 =	vld [tilespmem:$0x1FEC0]  }
0xb9: {  	v10 =	vadd.s32 v0, v41;
	v0 =	vld [tilespmem:$0x1FE90]  }
0xba: {  	v17 =	vld [tilespmem:s24+$0xE0];
	_ =	sdelay $0x2  }
0xbb: {  	v13 =	vshll.u32 v13, v1;
	v20 =	vld [tilespmem:$0x1FFC0]  }
0xbc: {  	v13 =	vbroadcast v13, $0x0;
	v63 =	vadd.s32 v5, v43;
	v5 =	vadd.s32 v0, v44;
	v0 =	vld [tilespmem:$0x1FFD0]  }
0xbd: {  	v15 =	vadd.f32 v17, v34  }
0xbe: {  	v55 =	vadd.s32 v25, v13;
	v26 =	vmov v25;
	v25 =	vadd.f32 v12, v35;
	v12 =	vld [tilespmem:s29+$0xFFFFFF90]  }
0xbf: {  	[tilespmem:v52+s17+$0x0] =	vst.idx.msk $0xffff, v15  }
0xc0: {  	v17 =	vld [tilespmem:s24+$0xF0];
	v44 =	vmov v13  }
0xc1: {  	v20 =	vadd.s32 v20, v2;
	v54 =	vadd.s32 v0, v44;
	v0 =	vld [tilespmem:$0x1FF90]  }
0xc2: {  	v4 =	vld [tilespmem:s24+$0xFFFFFF20]  }
0xc3: {  	v22 =	vadd.f32 v14, v35;
	v14 =	vadd.f32 v12, v35;
	v12 =	vld [tilespmem:s24+$0xB0]  }
0xc4: {  	v3 =	vld [tilespmem:$0x1FEA0]  }
0xc5: {  	[tilespmem:v24+s17+$0x0] =	vst.idx.msk $0xffff, v7;
	v7 =	vld [tilespmem:$0x1FF50]  }
0xc6: {  	p0 =	slt.u32 s28, $0x78;
	[tilespmem:v20+s17+$0x0] =	vst.idx.msk $0xffff, v22;
	v0 =	vadd.s32 v0, v2;
	v2 =	vld [tilespmem:$0x1FF80]  }
.Ltmp0:
0xc7: {  	[tilespmem:v50+s17+$0x0] =	vst.idx.msk $0xffff, v6;
	v15 =	vld [tilespmem:s24+$0xFFFFFFF0];
	v4 =	vadd.f32 v4, v34;
	(pc) =	sbr.rel @p0 .LBB2_3-.Ltmp0, $4  }
0xc8: {  	v8 =	vadd.f32 v8, v36;
	v50 =	vadd.s32 v32, v42;
	v24 =	vld [tilespmem:$0x1FEE0];
	[tilespmem:v23+s17+$0x0] =	vst.idx.msk $0xffff, v25  }
0xc9: {  	v38 =	vmovc v19;
	v22 =	vmov v31;
	v17 =	vadd.f32 v17, v33;
	v21 =	vmov v30;
	v23 =	vld [tilespmem:$0x1FED0];
	[tilespmem:v57+s17+$0x0] =	vst.idx.msk $0xffff, v4  }
0xca: {  	v3 =	vadd.s32 v3, v39;
	v6 =	vadd.f32 v16, v35;
	v16 =	vadd.s32 v28, v42;
	v41 =	vmovc v18;
	v13 =	vld [tilespmem:s24+$0xFFFFFF30]  }
0xcb: {  	s28 =	sadd.s32 $0x8, s28;
	v25 =	vmovc v26;
	v4 =	vadd.s32 v30, v39;
	v51 =	vadd.s32 v7, v41;
	v52 =	vadd.s32 v2, v45;
	v2 =	vld [tilespmem:s24+$0x70];
	s24 =	smov.u32 s29;
	s29 =	sadd.s32 $0x200, s29  }
0xcc: {  	_ = 	snop  }
0xcd: {  	v21 =	vld [tilespmem:$0x1FFD0]  }
0xce: {  	v19 =	vld [tilespmem:$0x1FFC0]  }
0xcf: {  	v18 =	vld [tilespmem:$0x1FFF0]  }
0xd0: {  	v27 =	vld [tilespmem:$0x1FE20];
	[tilespmem:v59+s17+$0x0] =	vst.idx.msk $0xffff, v8  }
0xd1: {  	[tilespmem:v3+s17+$0x0] =	vst.idx.msk $0xffff, v14  }
0xd2: {  	[tilespmem:v53+s17+$0x0] =	vst.idx.msk $0xffff, v49  }
0xd3: {  	[tilespmem:v11+s17+$0x0] =	vst.idx.msk $0xffff, v17  }
0xd4: {  	v49 =	vadd.s32 v22, v37;
	[tilespmem:v16+s17+$0x0] =	vst.idx.msk $0xffff, v62;
	v7 =	vld [tilespmem:s24+$0xD0]  }
0xd5: {  	v3 =	vadd.f32 v15, v33;
	[tilespmem:v55+s17+$0x0] =	vst.idx.msk $0xffff, v48  }
0xd6: {  	v53 =	vadd.f32 v12, v33;
	[tilespmem:v63+s17+$0x0] =	vst.idx.msk $0xffff, v6  }
0xd7: {  	[tilespmem:v9+s17+$0x0] =	vst.idx.msk $0xffff, v3  }
0xd8: {  	[tilespmem:v10+s17+$0x0] =	vst.idx.msk $0xffff, v53;
	v2 =	vadd.f32 v2, v33  }
0xd9: {  	[tilespmem:v49+s17+$0x0] =	vst.idx.msk $0xffff, v61;
	v7 =	vadd.f32 v7, v35  }
0xda: {  	v3 =	vld [tilespmem:s24+$0x90];
	[tilespmem:v60+s17+$0x0] =	vst.idx.msk $0xffff, v2  }
0xdb: {  	v57 =	vld [tilespmem:s24+$0x50];
	[tilespmem:v56+s17+$0x0] =	vst.idx.msk $0xffff, v7  }
0xdc: {  	v49 =	vld [tilespmem:$0x1FFB0]  }
0xdd: {  	v59 =	vld [tilespmem:s24+$0xFFFFFF60]  }
0xde: {  	v2 =	vld [tilespmem:s24+$0xFFFFFF10]  }
0xdf: {  	v60 =	vld [tilespmem:s24+$0x20];
	v3 =	vadd.f32 v3, v35  }
0xe0: {  	v61 =	vadd.f32 v57, v35;
	v7 =	vld [tilespmem:s24+$0xE0]  }
0xe1: {  	v63 =	vadd.f32 v13, v33;
	[tilespmem:v58+s17+$0x0] =	vst.idx.msk $0xffff, v3;
	v3 =	vld [tilespmem:s24+$0xFFFFFFE0];
	v62 =	vadd.s32 v49, v40  }
0xe2: {  	v36 =	vadd.f32 v59, v34;
	[tilespmem:v47+s17+$0x0] =	vst.idx.msk $0xffff, v61  }
0xe3: {  	[tilespmem:v5+s17+$0x0] =	vst.idx.msk $0xffff, v63;
	v2 =	vadd.f32 v2, v35  }
0xe4: {  	[tilespmem:v0+s17+$0x0] =	vst.idx.msk $0xffff, v36;
	v8 =	vadd.f32 v60, v34  }
0xe5: {  	v32 =	vld [tilespmem:s24+$0xA0];
	[tilespmem:v54+s17+$0x0] =	vst.idx.msk $0xffff, v2;
	v2 =	vadd.f32 v7, v34  }
0xe6: {  	v6 =	vld [tilespmem:s24+$0x60];
	v3 =	vadd.f32 v3, v34;
	[tilespmem:v62+s17+$0x0] =	vst.idx.msk $0xffff, v8  }
0xe7: {  	v14 =	vld [tilespmem:$0x1FFA0];
	[tilespmem:v52+s17+$0x0] =	vst.idx.msk $0xffff, v2  }
0xe8: {  	v37 =	vld [tilespmem:s24+$0xFFFFFFA0];
	[tilespmem:v46+s17+$0x0] =	vst.idx.msk $0xffff, v3  }
0xe9: {  	v53 =	vld [tilespmem:$0x1FE40]  }
0xea: {  	v0 =	vld [tilespmem:s24+$0xFFFFFF20]  }
0xeb: {  	v5 =	vld [tilespmem:s24+$0xFFFFFF70];
	v48 =	vadd.f32 v32, v34  }
0xec: {  	v8 =	vld [tilespmem:s24+$0x30];
	v2 =	vadd.f32 v6, v34;
	v47 =	vadd.s32 v14, v44  }
0xed: {  	v52 =	vadd.f32 v37, v34;
	v3 =	vld [tilespmem:s24+$0xF0];
	[tilespmem:v51+s17+$0x0] =	vst.idx.msk $0xffff, v48  }
0xee: {  	v9 =	vld [tilespmem:$0x1FE80];
	[tilespmem:v50+s17+$0x0] =	vst.idx.msk $0xffff, v2;
	v10 =	vadd.s32 v53, v40  }
0xef: {  	v0 =	vadd.f32 v0, v34;
	v54 =	vld [tilespmem:s24+$0xFFFFFFF0];
	[tilespmem:v4+s17+$0x0] =	vst.idx.msk $0xffff, v52  }
0xf0: {  	v55 =	vadd.f32 v5, v33;
	v56 =	vld [tilespmem:$0x1FE30]  }
0xf1: {  	v59 =	vld [tilespmem:$0x1FE70];
	v8 =	vadd.f32 v8, v33;
	[tilespmem:v47+s17+$0x0] =	vst.idx.msk $0xffff, v0  }
0xf2: {  	v0 =	vld [tilespmem:$0x1FE50];
	[tilespmem:v38+s17+$0x0] =	vst.idx.msk $0xffff, v55  }
0xf3: {  	v58 =	vld [tilespmem:s24+$0xFFFFFFB0];
	[tilespmem:v10+s17+$0x0] =	vst.idx.msk $0xffff, v8  }
0xf4: {  	v9 =	vadd.s32 v9, v45;
	v10 =	vld [tilespmem:$0x1FE90]  }
0xf5: {  	v62 =	vadd.s32 v22, v39;
	v2 =	vld [tilespmem:s24+$0xB0]  }
0xf6: {  	v57 =	vld [tilespmem:s24+$0x70];
	v5 =	vadd.s32 v56, v43  }
0xf7: {  	v3 =	vadd.f32 v3, v33;
	v13 =	vadd.s32 v59, v41;
	v60 =	vld [tilespmem:s24+$0xFFFFFF30]  }
0xf8: {  	v63 =	vadd.f32 v58, v33;
	v0 =	vadd.s32 v0, v42  }
0xf9: {  	v61 =	vadd.f32 v54, v33;
	[tilespmem:v9+s17+$0x0] =	vst.idx.msk $0xffff, v3;
	v10 =	vadd.s32 v10, v44  }
0xfa: {  	v2 =	vadd.f32 v2, v33;
	[tilespmem:v62+s17+$0x0] =	vst.idx.msk $0xffff, v63  }
0xfb: {  	s0 =	sshll.u32 s22, $0x13;
	v3 =	vadd.f32 v57, v33;
	[tilespmem:v5+s17+$0x0] =	vst.idx.msk $0xffff, v61  }
0xfc: {  	s0 =	sor.u32 s5, s0;
	[tilespmem:v13+s17+$0x0] =	vst.idx.msk $0xffff, v2;
	v2 =	vadd.f32 v60, v33  }
0xfd: {  	s0 =	sshrl.u32 s0, $0x3;
	[tilespmem:v0+s17+$0x0] =	vst.idx.msk $0xffff, v3  }
0xfe: {  	s3 =	simm.s32 $0xD600;
	s0 =	sadd.s32 s1, s0;
	[tilespmem:v10+s17+$0x0] =	vst.idx.msk $0xffff, v2  }
0xff: {  	[hbm4b:s0+s2] =	stream.linear.scatter [tilespmem:s3], [sflag:$0x2], $0x80, $0x38;
	[tilespmem:$0x11A00] =	vst v63  }
0x100: {  	s9 =	sadd.s32 $0x10, s0;
	s24 =	simm.s32 $0xD688  }
0x101: {  	[hbm4b:s9+s2] =	stream.linear.scatter [tilespmem:s24], [sflag:$0x2], $0x80, $0x38;
	[tilespmem:$0x11A00] =	vst v63  }
0x102: {  	s26 =	simm.s32 $0xD710;
	s31 =	sadd.s32 $0x20, s0  }
0x103: {  	[hbm4b:s31+s2] =	stream.linear.scatter [tilespmem:s26], [sflag:$0x2], $0x80, $0x38;
	[tilespmem:$0x11A00] =	vst v63  }
0x104: {  	s9 =	simm.s32 $0xD798;
	s24 =	sadd.s32 $0x30, s0  }
0x105: {  	[hbm4b:s24+s2] =	stream.linear.scatter [tilespmem:s9], [sflag:$0x2], $0x80, $0x38;
	[tilespmem:$0x11A00] =	vst v63  }
0x106: {  	s26 =	simm.s32 $0xD820;
	s31 =	sadd.s32 $0x40, s0  }
0x107: {  	[hbm4b:s31+s2] =	stream.linear.scatter [tilespmem:s26], [sflag:$0x2], $0x80, $0x38;
	[tilespmem:$0x11A00] =	vst v63  }
0x108: {  	s28 =	simm.s32 $0x2200;
	s9 =	simm.s32 $0xD8A8;
	s24 =	sadd.s32 $0x50, s0  }
0x109: {  	[hbm4b:s24+s2] =	stream.linear.scatter [tilespmem:s9], [sflag:$0x2], $0x80, $0x38;
	[tilespmem:$0x11A00] =	vst v63  }
0x10a: {  	s29 =	simm.s32 $0xD9B8;
	s26 =	simm.s32 $0xD930;
	s31 =	sadd.s32 $0x60, s0  }
0x10b: {  	[hbm4b:s31+s2] =	stream.linear.scatter [tilespmem:s26], [sflag:$0x2], $0x80, $0x38;
	[tilespmem:$0x11A00] =	vst v63  }
0x10c: {  	s30 =	sadd.s32 $0x70, s0;
	v38 =	vmov v14;
	s24 =	simm.s32 $0x440;
	s26 =	sadd.s32 $0x1000, s0  }
.LBB2_5:
0x10d: {  	[hbm4b:s30+s2] =	stream.linear.scatter [tilespmem:s29], [sflag:$0x2], $0x80, $0x38;
	[tilespmem:$0x11A00] =	vst v63  }
0x10e: {  	s0 =	smov.u32 s24;
	s3 =	smov.u32 s28  }
0x10f: {  	s24 =	sshra.s32 s3, $0x2;
	s3 =	sadd.s32 $0x1100, s28;
	s9 =	sadd.s32 $0xD600, s0  }
0x110: {  	[hbm4b:s26+s2] =	stream.linear.scatter [tilespmem:s9], [sflag:$0x2], $0x80, $0x38;
	[tilespmem:$0x11A00] =	vst v63  }
0x111: {  	p0 =	sne.s32 s28, $0x7700;
	s28 =	sadd.s32 $0x10, s26;
	s9 =	sadd.s32 $0xD688, s0  }
0x112: {  	[hbm4b:s28+s2] =	stream.linear.scatter [tilespmem:s9], [sflag:$0x2], $0x80, $0x38;
	[tilespmem:$0x11A00] =	vst v63  }
0x113: {  	s9 =	sadd.s32 $0xD710, s0;
	s28 =	sadd.s32 $0x20, s26  }
0x114: {  	[hbm4b:s28+s2] =	stream.linear.scatter [tilespmem:s9], [sflag:$0x2], $0x80, $0x38;
	[tilespmem:$0x11A00] =	vst v63  }
0x115: {  	s9 =	sadd.s32 $0xD798, s0;
	s28 =	sadd.s32 $0x30, s26  }
0x116: {  	[hbm4b:s28+s2] =	stream.linear.scatter [tilespmem:s9], [sflag:$0x2], $0x80, $0x38;
	[tilespmem:$0x11A00] =	vst v63  }
0x117: {  	s9 =	sadd.s32 $0xD820, s0;
	s28 =	sadd.s32 $0x40, s26  }
0x118: {  	[hbm4b:s28+s2] =	stream.linear.scatter [tilespmem:s9], [sflag:$0x2], $0x80, $0x38;
	[tilespmem:$0x11A00] =	vst v63  }
.Ltmp1:
0x119: {  	s9 =	sadd.s32 $0xD8A8, s0;
	s28 =	sadd.s32 $0x50, s26;
	(pc) =	sbr.rel @p0 .LBB2_5-.Ltmp1, $4  }
0x11a: {  	[hbm4b:s28+s2] =	stream.linear.scatter [tilespmem:s9], [sflag:$0x2], $0x80, $0x38;
	[tilespmem:$0x11A00] =	vst v63  }
0x11b: {  	s30 =	sadd.s32 $0x70, s26;
	s9 =	sadd.s32 $0xD930, s0;
	s28 =	sadd.s32 $0x60, s26  }
0x11c: {  	[hbm4b:s28+s2] =	stream.linear.scatter [tilespmem:s9], [sflag:$0x2], $0x80, $0x38;
	[tilespmem:$0x11A00] =	vst v63  }
0x11d: {  	s29 =	sadd.s32 $0xD9B8, s0;
	s26 =	sadd.s32 $0x1000, s26;
	s28 =	smov.u32 s3  }
0x11e: {  	[hbm4b:s30+s2] =	stream.linear.scatter [tilespmem:s29], [sflag:$0x2], $0x80, $0x38;
	[tilespmem:$0x11A00] =	vst v63  }
0x11f: {  	s0 =	sadd.s32 $0xD600, s24  }
0x120: {  	[hbm4b:s26+s2] =	stream.linear.scatter [tilespmem:s0], [sflag:$0x2], $0x80, $0x38;
	[tilespmem:$0x11A00] =	vst v63  }
0x121: {  	s31 =	sadd.s32 $0xD688, s24;
	s3 =	sadd.s32 $0x10, s26  }
0x122: {  	[hbm4b:s3+s2] =	stream.linear.scatter [tilespmem:s31], [sflag:$0x2], $0x80, $0x38;
	[tilespmem:$0x11A00] =	vst v63  }
0x123: {  	s9 =	sadd.s32 $0xD710, s24;
	s29 =	sadd.s32 $0x20, s26  }
0x124: {  	[hbm4b:s29+s2] =	stream.linear.scatter [tilespmem:s9], [sflag:$0x2], $0x80, $0x38;
	[tilespmem:$0x11A00] =	vst v63  }
0x125: {  	s30 =	sadd.s32 $0xD798, s24;
	s31 =	sadd.s32 $0x30, s26  }
0x126: {  	[hbm4b:s31+s2] =	stream.linear.scatter [tilespmem:s30], [sflag:$0x2], $0x80, $0x38;
	[tilespmem:$0x11A00] =	vst v63  }
0x127: {  	s9 =	sadd.s32 $0xD820, s24;
	s29 =	sadd.s32 $0x40, s26  }
0x128: {  	[hbm4b:s29+s2] =	stream.linear.scatter [tilespmem:s9], [sflag:$0x2], $0x80, $0x38;
	[tilespmem:$0x11A00] =	vst v63  }
0x129: {  	s30 =	sadd.s32 $0xD8A8, s24;
	s31 =	sadd.s32 $0x50, s26  }
0x12a: {  	[hbm4b:s31+s2] =	stream.linear.scatter [tilespmem:s30], [sflag:$0x2], $0x80, $0x38;
	[tilespmem:$0x11A00] =	vst v63  }
0x12b: {  	p0 =	seq.s32 s22, $0x63;
	s9 =	sadd.s32 $0xD930, s24;
	s29 =	sadd.s32 $0x60, s26  }
0x12c: {  	[hbm4b:s29+s2] =	stream.linear.scatter [tilespmem:s9], [sflag:$0x2], $0x80, $0x38;
	[tilespmem:$0x11A00] =	vst v63  }
0x12d: {  	s0 =	sshll.u32 @!p0 s25, $0x7;
	s30 =	sadd.s32 $0xD9B8, s24;
	s31 =	sadd.s32 $0x70, s26  }
0x12e: {  	[hbm4b:s31+s2] =	stream.linear.scatter [tilespmem:s30], [sflag:$0x2], $0x80, $0x38;
	[tilespmem:$0x11A00] =	vst v63  }
0x12f: {  	s0 =	sadd.s32 @!p0 $0x100, s0;
	_ =	swait.ge [sflag:s15], $0x2000  }
0x130: {  	p1 =	seq.s32 @!p0 s22, $0x0;
	s0 =	sand.u32 @!p0 $0xFF00, s0;
	[sflag:s15] =	ssyncset.done $0x0  }
0x131: {  	s3 =	simm.s32 @!p0 $0x80;
	s9 =	simm.s32 @!p0 $0x9600;
	[sflag:s15] =	ssyncadd.s32 $0xFFFFE000  }
0x132: {  	[tilespmem:s9], [sflag:$0x1] =	stream.indirect.gather @!p0 [hbm4b:s4+s3], $0x40, s0, s3, $0xb8;
	[tilespmem:$0x11A00] =	vst v63  }
0x133: {  	v61 =	vmov v27;
	s30 =	simm.s32 $0x1;
	v27 =	vld [tilespmem:$0x1FF30];
	p0 =	por p0, !p1  }
0x134: {  	s25 =	simm.s32 $0x7;
	s26 =	simm.s32 $0x4;
	v5 =	vmov s30;
	v63 =	vld [tilespmem:$0x1FE60];
	_ =	swait.ge @p0 [sflag:s20], $0x2000  }
0x135: {  	v2 =	vmov s25;
	v3 =	vmov s26;
	s31 =	simm.s32 $0x2;
	v5 =	vshrl.u32 v5, $0x3;
	s9 =	sshll.u32 s23, $0x6;
	[sflag:s20] =	ssyncset.done @p0 $0x0;
	v48 =	vld [tilespmem:$0x1FEF0]  }
0x136: {  	v3 =	vshrl.u32 v3, $0x3;
	v6 =	vmov s31;
	v5 =	vshll.u32 v5, v1;
	s0 =	sand.u32 $0x3FFFFFC0, s9;
	v60 =	vld [tilespmem:$0x1FEB0];
	[sflag:s20] =	ssyncadd.s32 @p0 $0xFFFFE000  }
0x137: {  	s25 =	simm.s32 $0xB700;
	v3 =	vshll.u32 v3, v1;
	v6 =	vshrl.u32 v6, $0x3;
	v5 =	vbroadcast v5, $0x0;
	s9 =	simm.s32 $0x3;
	v36 =	vld [tilespmem:s0+$0x6400]  }
0x138: {  	v44 =	vbroadcast v3, $0x0;
	v6 =	vshll.u32 v6, v1;
	v3 =	vmov s9;
	v8 =	vld [tilespmem:s25+$0xFFFFFF40]  }
0x139: {  	v37 =	vbroadcast v6, $0x0;
	v11 =	vadd.s32 v23, v5;
	v3 =	vshrl.u32 v3, $0x3;
	v9 =	vld [tilespmem:s25+$0xFFFFFF80]  }
0x13a: {  	s24 =	simm.s32 $0x0;
	v10 =	vadd.s32 v18, v5;
	v7 =	vld [tilespmem:s25+$0x0];
	v3 =	vshll.u32 v3, v1;
	[tilespmem:$0x1FD90] =	vst v11  }
0x13b: {  	v0 =	vmov s24;
	v12 =	vadd.s32 v24, v37;
	v11 =	vld [tilespmem:s25+$0xFFFFFFC0];
	v50 =	vbroadcast v3, $0x0  }
0x13c: {  	v0 =	vshrl.u32 v0, $0x3;
	v6 =	vadd.s32 v48, v44  }
0x13d: {  	v17 =	vshll.u32 v0, v1;
	v35 =	vld [tilespmem:s0+$0x6410];
	v15 =	vadd.s32 v60, v50;
	v0 =	vadd.f32 v8, v36  }
0x13e: {  	v34 =	vld [tilespmem:s0+$0x6420];
	v9 =	vadd.f32 v9, v36  }
0x13f: {  	v33 =	vld [tilespmem:s0+$0x6430];
	v7 =	vadd.f32 v7, v36;
	[tilespmem:v10+s18+$0x0] =	vst.idx.msk $0xffff, v0  }
0x140: {  	v0 =	vadd.f32 v11, v36;
	[tilespmem:v12+s18+$0x0] =	vst.idx.msk $0xffff, v9  }
0x141: {  	v3 =	vld [tilespmem:s25+$0xFFFFFF00];
	[tilespmem:v6+s18+$0x0] =	vst.idx.msk $0xffff, v7  }
0x142: {  	s29 =	simm.s32 $0x5;
	v13 =	vld [tilespmem:s25+$0xC0];
	[tilespmem:v15+s18+$0x0] =	vst.idx.msk $0xffff, v0  }
0x143: {  	s24 =	simm.s32 $0x6;
	v4 =	vmov s29;
	v12 =	vld [tilespmem:$0x1FF20]  }
0x144: {  	v14 =	vmov s24;
	v4 =	vshrl.u32 v4, $0x3;
	v16 =	vld [tilespmem:s25+$0x80]  }
0x145: {  	v2 =	vshrl.u32 v2, $0x3;
	v4 =	vshll.u32 v4, v1;
	v8 =	vshrl.u32 v14, $0x3;
	v14 =	vld [tilespmem:s25+$0x40]  }
0x146: {  	v2 =	vshll.u32 v2, v1;
	v4 =	vbroadcast v4, $0x0;
	v7 =	vld [tilespmem:s25+$0xFFFFFF50]  }
0x147: {  	v54 =	vbroadcast v2, $0x0;
	v8 =	vshll.u32 v8, v1;
	v2 =	vld [tilespmem:s25+$0xFFFFFF90]  }
0x148: {  	v52 =	vbroadcast v8, $0x0;
	v8 =	vadd.f32 v13, v36;
	v55 =	vld [tilespmem:$0x1FEA0];
	v13 =	vadd.s32 v12, v4  }
0x149: {  	v57 =	vbroadcast v17, $0x0;
	v6 =	vld [tilespmem:s25+$0x10];
	[tilespmem:$0x1FD70] =	vst v13  }
0x14a: {  	v47 =	vmov v18;
	v18 =	vadd.s32 v61, v50;
	v13 =	vld [tilespmem:s25+$0xFFFFFFD0]  }
0x14b: {  	v29 =	vmov v25;
	[tilespmem:$0x1FDA0] =	vst v18;
	v18 =	vadd.s32 v25, v57;
	v25 =	vld [tilespmem:$0x1FF90]  }
0x14c: {  	v0 =	vld [tilespmem:$0x1FF00]  }
0x14d: {  	v51 =	vld [tilespmem:$0x1FF60];
	v17 =	vadd.s32 v55, v37  }
0x14e: {  	v32 =	vmov v21;
	v53 =	vmov v23;
	v23 =	vld [tilespmem:$0x1FF10]  }
0x14f: {  	v59 =	vadd.s32 v32, v57;
	v9 =	vadd.s32 v19, v5;
	v10 =	vadd.s32 v63, v52;
	v22 =	vld [tilespmem:$0x1FEC0]  }
0x150: {  	v56 =	vld [tilespmem:$0x1FF70];
	v2 =	vadd.f32 v2, v35;
	[tilespmem:$0x1FD80] =	vst v59;
	v25 =	vadd.s32 v25, v5;
	v5 =	vadd.s32 v27, v4  }
0x151: {  	v28 =	vmov v19;
	s26 =	simm.s32 $0x8;
	v19 =	vadd.f32 v6, v35;
	v6 =	vld [tilespmem:$0x1FF40];
	[tilespmem:$0x1FDB0] =	vst v5  }
0x152: {  	s24 =	simm.s32 $0xB900;
	v43 =	vmov s26;
	s29 =	simm.s32 $0xF;
	s30 =	simm.s32 $0x9;
	v16 =	vadd.f32 v16, v36;
	v5 =	vld [tilespmem:$0x1FF80];
	[tilespmem:v17+s18+$0x0] =	vst.idx.msk $0xffff, v2;
	v17 =	vadd.s32 v38, v57  }
0x153: {  	v58 =	vmovc v24;
	v40 =	vmov s29;
	v39 =	vmov s30;
	v24 =	vadd.s32 v23, v4;
	v42 =	vld [tilespmem:s24+$0xFFFFFF40];
	[tilespmem:$0x1FDC0] =	vst v17  }
0x154: {  	v39 =	vshrl.u32 v39, $0x3;
	v41 =	vadd.s32 v30, v37;
	v11 =	vadd.s32 v0, v44;
	v2 =	vld [tilespmem:$0x1FF50];
	[tilespmem:v10+s18+$0x0] =	vst.idx.msk $0xffff, v16  }
0x155: {  	v3 =	vadd.f32 v3, v36;
	v7 =	vadd.f32 v7, v35;
	v15 =	vadd.s32 v51, v54;
	v46 =	vld [tilespmem:s25+$0x90]  }
0x156: {  	s26 =	simm.s32 $0xA;
	v14 =	vadd.f32 v14, v36;
	v21 =	vadd.s32 v22, v50;
	v20 =	vadd.s32 v6, v52  }
0x157: {  	s31 =	simm.s32 $0xC;
	v13 =	vadd.f32 v13, v35;
	v17 =	vadd.s32 v49, v44;
	v32 =	vld [tilespmem:s25+$0xFFFFFFA0];
	v16 =	vmov s26;
	[tilespmem:v9+s18+$0x0] =	vst.idx.msk $0xffff, v7  }
0x158: {  	v10 =	vmov s31;
	[tilespmem:v24+s18+$0x0] =	vst.idx.msk $0xffff, v14;
	v9 =	vshrl.u32 v16, $0x3;
	v16 =	vshll.u32 v39, v1;
	v14 =	vld [tilespmem:s25+$0xFFFFFF60]  }
0x159: {  	[tilespmem:v11+s18+$0x0] =	vst.idx.msk $0xffff, v19;
	v10 =	vshrl.u32 v10, $0x3;
	v9 =	vshll.u32 v9, v1;
	v24 =	vbroadcast v16, $0x0  }
0x15a: {  	v45 =	vld [tilespmem:s24+$0xFFFFFF80];
	[tilespmem:v15+s18+$0x0] =	vst.idx.msk $0xffff, v8;
	v39 =	vbroadcast v9, $0x0;
	v9 =	vshll.u32 v10, v1;
	v15 =	vadd.f32 v46, v35  }
0x15b: {  	v49 =	vld [tilespmem:s24+$0x0];
	[tilespmem:v21+s18+$0x0] =	vst.idx.msk $0xffff, v13;
	v16 =	vshrl.u32 v40, $0x3;
	v19 =	vadd.s32 v47, v24;
	v40 =	vbroadcast v9, $0x0  }
0x15c: {  	v10 =	vadd.f32 v32, v34;
	v21 =	vadd.s32 v58, v39;
	[tilespmem:v20+s18+$0x0] =	vst.idx.msk $0xffff, v15;
	v20 =	vld [tilespmem:s25+$0xD0]  }
0x15d: {  	[tilespmem:v18+s18+$0x0] =	vst.idx.msk $0xffff, v3;
	v8 =	vadd.s32 v48, v40;
	v14 =	vadd.f32 v14, v34  }
0x15e: {  	v62 =	vadd.s32 v56, v54;
	v46 =	vadd.f32 v42, v36;
	[tilespmem:v41+s18+$0x0] =	vst.idx.msk $0xffff, v10  }
0x15f: {  	v3 =	vadd.f32 v45, v36;
	[tilespmem:v25+s18+$0x0] =	vst.idx.msk $0xffff, v14  }
0x160: {  	v25 =	vadd.f32 v49, v36;
	[tilespmem:v19+s18+$0x0] =	vst.idx.msk $0xffff, v46  }
0x161: {  	[tilespmem:v21+s18+$0x0] =	vst.idx.msk $0xffff, v3;
	v3 =	vadd.f32 v20, v35  }
0x162: {  	[tilespmem:v8+s18+$0x0] =	vst.idx.msk $0xffff, v25  }
0x163: {  	[tilespmem:v62+s18+$0x0] =	vst.idx.msk $0xffff, v3  }
0x164: {  	v19 =	vadd.s32 v0, v40;
	v0 =	vld [tilespmem:$0x1FD70]  }
0x165: {  	v11 =	vld [tilespmem:s25+$0x50];
	_ =	sdelay $0x3  }
0x166: {  	v13 =	vshrl.u32 v43, $0x3;
	v43 =	vld [tilespmem:s24+$0xC0]  }
0x167: {  	s29 =	simm.s32 $0xD;
	v11 =	vadd.f32 v11, v35;
	v14 =	vld [tilespmem:s25+$0x20]  }
0x168: {  	v7 =	vmov s29;
	v9 =	vld [tilespmem:s24+$0xFFFFFF00]  }
0x169: {  	s30 =	simm.s32 $0xB;
	v7 =	vshrl.u32 v7, $0x3;
	v18 =	vld [tilespmem:s25+$0xFFFFFF10];
	[tilespmem:v0+s18+$0x0] =	vst.idx.msk $0xffff, v11  }
0x16a: {  	v59 =	vmov s30;
	v7 =	vshll.u32 v7, v1;
	v0 =	vld [tilespmem:$0x1FE40]  }
0x16b: {  	s31 =	simm.s32 $0xE;
	v38 =	vadd.s32 v53, v24;
	v42 =	vbroadcast v7, $0x0;
	v41 =	vshrl.u32 v59, $0x3  }
0x16c: {  	v15 =	vmov s31;
	v49 =	vadd.f32 v43, v36;
	v3 =	vadd.f32 v14, v34  }
0x16d: {  	v47 =	vadd.s32 v12, v42;
	v15 =	vshrl.u32 v15, $0x3;
	v48 =	vadd.f32 v9, v36  }
0x16e: {  	v53 =	vld [tilespmem:s24+$0xFFFFFFC0];
	v9 =	vshll.u32 v15, v1;
	v15 =	vshll.u32 v41, v1;
	[tilespmem:v17+s18+$0x0] =	vst.idx.msk $0xffff, v3  }
0x16f: {  	v12 =	vadd.f32 v18, v35;
	v43 =	vbroadcast v15, $0x0;
	v18 =	vadd.s32 v0, v44;
	v0 =	vld [tilespmem:$0x1FD80];
	_ =	sdelay $0x1  }
0x170: {  	v41 =	vbroadcast v9, $0x0;
	v9 =	vadd.s32 v60, v43;
	_ =	sdelay $0x2  }
0x171: {  	v14 =	vadd.f32 v53, v36;
	_ =	sdelay $0x1  }
0x172: {  	[tilespmem:v9+s18+$0x0] =	vst.idx.msk $0xffff, v14  }
0x173: {  	v13 =	vshll.u32 v13, v1;
	v11 =	vld [tilespmem:s25+$0xE0];
	[tilespmem:v0+s18+$0x0] =	vst.idx.msk $0xffff, v12  }
0x174: {  	v44 =	vbroadcast v13, $0x0;
	v13 =	vld [tilespmem:$0x1FD90]  }
0x175: {  	v8 =	vld [tilespmem:s25+$0xFFFFFF70]  }
0x176: {  	v5 =	vadd.s32 v5, v54;
	_ =	sdelay $0x1  }
0x177: {  	v0 =	vld [tilespmem:$0x1FE50]  }
0x178: {  	v11 =	vadd.f32 v11, v34  }
0x179: {  	v12 =	vadd.f32 v8, v33  }
0x17a: {  	[tilespmem:v5+s18+$0x0] =	vst.idx.msk $0xffff, v11  }
0x17b: {  	[tilespmem:v13+s18+$0x0] =	vst.idx.msk $0xffff, v12  }
0x17c: {  	v16 =	vshll.u32 v16, v1;
	v60 =	vadd.s32 v0, v4;
	v0 =	vld [tilespmem:$0x1FDA0]  }
0x17d: {  	v45 =	vbroadcast v16, $0x0;
	v16 =	vld [tilespmem:s25+$0xFFFFFFE0]  }
0x17e: {  	v7 =	vld [tilespmem:s25+$0xA0];
	_ =	sdelay $0x1  }
0x17f: {  	v2 =	vadd.s32 v2, v52;
	_ =	sdelay $0x1  }
0x180: {  	v13 =	vadd.f32 v16, v34  }
0x181: {  	v7 =	vadd.f32 v7, v34  }
0x182: {  	[tilespmem:v0+s18+$0x0] =	vst.idx.msk $0xffff, v13  }
0x183: {  	v0 =	vld [tilespmem:$0x1FE30];
	[tilespmem:v2+s18+$0x0] =	vst.idx.msk $0xffff, v7  }
0x184: {  	v2 =	vld [tilespmem:$0x1FE80];
	_ =	sdelay $0x4  }
0x185: {  	v11 =	vadd.s32 v2, v54;
	v2 =	vld [tilespmem:$0x1FDB0]  }
0x186: {  	v9 =	vld [tilespmem:s25+$0x60];
	_ =	sdelay $0x1  }
0x187: {  	v10 =	vld [tilespmem:s24+$0x40];
	_ =	sdelay $0x2  }
0x188: {  	v16 =	vadd.f32 v9, v34;
	_ =	sdelay $0x1  }
0x189: {  	v62 =	vadd.f32 v10, v36;
	v10 =	vld [tilespmem:s25+$0x30];
	[tilespmem:v2+s18+$0x0] =	vst.idx.msk $0xffff, v16  }
0x18a: {  	v2 =	vld [tilespmem:$0x1FE70];
	_ =	sdelay $0x4  }
0x18b: {  	v13 =	vadd.f32 v10, v33;
	v10 =	vadd.s32 v2, v52;
	v2 =	vld [tilespmem:$0x1FE90];
	_ =	sdelay $0x1  }
0x18c: {  	v15 =	vld [tilespmem:s24+$0x10];
	_ =	sdelay $0x1  }
0x18d: {  	v59 =	vadd.s32 v63, v41;
	v63 =	vld [tilespmem:$0x1FF90];
	[tilespmem:v18+s18+$0x0] =	vst.idx.msk $0xffff, v13  }
0x18e: {  	v5 =	vadd.s32 v2, v57;
	v2 =	vld [tilespmem:$0x1FFD0];
	_ =	sdelay $0x1  }
0x18f: {  	v4 =	vadd.f32 v15, v35;
	_ =	sdelay $0x1  }
0x190: {  	[tilespmem:v19+s18+$0x0] =	vst.idx.msk $0xffff, v4  }
0x191: {  	v54 =	vadd.s32 v2, v44;
	v2 =	vld [tilespmem:$0x1FF30];
	_ =	sdelay $0x3  }
0x192: {  	v32 =	vld [tilespmem:s25+$0xFFFFFFB0]  }
0x193: {  	v25 =	vadd.s32 v28, v24;
	v9 =	vadd.s32 v0, v50;
	v28 =	vmovc v2;
	v50 =	vadd.s32 v2, v42;
	v2 =	vld [tilespmem:$0x1FF80]  }
0x194: {  	v17 =	vld [tilespmem:s24+$0xFFFFFF50];
	_ =	sdelay $0x3  }
0x195: {  	v3 =	vadd.s32 v55, v39;
	v55 =	vadd.s32 v29, v44;
	v29 =	vmovc v2;
	v52 =	vadd.s32 v2, v45;
	v2 =	vld [tilespmem:$0x1FDC0]  }
0x196: {  	v46 =	vadd.s32 v61, v43;
	v61 =	vadd.f32 v32, v33;
	v32 =	vadd.f32 v17, v35;
	v17 =	vld [tilespmem:s25+$0xFFFFFF20];
	_ =	sdelay $0x2  }
0x197: {  	v7 =	vld [tilespmem:s25+$0xF0];
	_ =	sdelay $0x1  }
0x198: {  	v15 =	vld [tilespmem:s24+$0xFFFFFFD0];
	v13 =	vadd.f32 v17, v34  }
0x199: {  	v12 =	vld [tilespmem:s24+$0xFFFFFF90];
	[tilespmem:v25+s18+$0x0] =	vst.idx.msk $0xffff, v32  }
0x19a: {  	v27 =	vld [tilespmem:s24+$0x80];
	[tilespmem:v2+s18+$0x0] =	vst.idx.msk $0xffff, v13  }
0x19b: {  	v17 =	vadd.f32 v7, v33;
	v7 =	vld [tilespmem:$0x1FF50];
	_ =	sdelay $0x1  }
0x19c: {  	v58 =	vadd.s32 v6, v41;
	v6 =	vadd.f32 v15, v35;
	v15 =	vld [tilespmem:s25+$0xFFFFFFF0]  }
0x19d: {  	v56 =	vadd.s32 v56, v45;
	v53 =	vadd.s32 v51, v45;
	v14 =	vadd.f32 v12, v35;
	v12 =	vld [tilespmem:s25+$0xB0]  }
0x19e: {  	v8 =	vadd.f32 v27, v36;
	v27 =	vmovc v23;
	v0 =	vadd.s32 v22, v43;
	v16 =	vadd.s32 v23, v42;
	v2 =	vld [tilespmem:s25+$0x70]  }
0x19f: {  	s28 =	simm.s32 $0xBB00;
	s26 =	simm.s32 $0x10;
	v63 =	vadd.s32 v63, v24;
	v4 =	vadd.s32 v30, v39;
	v13 =	vld [tilespmem:s25+$0xFFFFFF30];
	v32 =	vmovc v7;
	v51 =	vadd.s32 v7, v41  }
.LBB2_7:
0x1a0: {  	_ =	sdelay $0x2  }
0x1a1: {  	v18 =	vld [tilespmem:s28+$0xFFFFFF40];
	[tilespmem:v16+s18+$0x0] =	vst.idx.msk $0xffff, v62  }
0x1a2: {  	v7 =	vld [tilespmem:$0x1FFA0];
	[tilespmem:v59+s18+$0x0] =	vst.idx.msk $0xffff, v8  }
0x1a3: {  	s3 =	smov.u32 s26;
	v62 =	vld [tilespmem:s28+$0x0];
	[tilespmem:v3+s18+$0x0] =	vst.idx.msk $0xffff, v14;
	v3 =	vadd.f32 v15, v33  }
0x1a4: {  	s30 =	sadd.s32 $0x2, s3;
	[tilespmem:v11+s18+$0x0] =	vst.idx.msk $0xffff, v17;
	v8 =	vld [tilespmem:s28+$0x80]  }
0x1a5: {  	s9 =	sadd.s32 $0x4, s3;
	v17 =	vmov s30;
	v24 =	vld [tilespmem:s28+$0xC0];
	v12 =	vadd.f32 v12, v33;
	[tilespmem:v9+s18+$0x0] =	vst.idx.msk $0xffff, v3  }
0x1a6: {  	v14 =	vmov s9;
	v16 =	vshrl.u32 v17, $0x3;
	v3 =	vadd.f32 v2, v33;
	[tilespmem:v0+s18+$0x0] =	vst.idx.msk $0xffff, v6;
	v0 =	vld [tilespmem:$0x1FEF0]  }
0x1a7: {  	v9 =	vshll.u32 v16, v1;
	v16 =	vld [tilespmem:s24+$0x90];
	[tilespmem:v10+s18+$0x0] =	vst.idx.msk $0xffff, v12;
	v10 =	vshrl.u32 v14, $0x3  }
0x1a8: {  	v17 =	vld [tilespmem:s24+$0x50];
	[tilespmem:v60+s18+$0x0] =	vst.idx.msk $0xffff, v3;
	v3 =	vshll.u32 v10, v1  }
0x1a9: {  	v21 =	vld [tilespmem:s24+$0xFFFFFFA0];
	v3 =	vbroadcast v3, $0x0  }
0x1aa: {  	s0 =	sadd.s32 $0x7, s26;
	v22 =	vadd.s32 v31, v37;
	v23 =	vld [tilespmem:s28+$0xFFFFFF80]  }
0x1ab: {  	v19 =	vmov s3;
	s29 =	sadd.s32 $0x5, s3;
	v20 =	vmov s0;
	s31 =	sadd.s32 $0x1, s3;
	v12 =	vld [tilespmem:s24+$0xFFFFFF60];
	v0 =	vadd.s32 v0, v3  }
0x1ac: {  	v11 =	vmov s31;
	v15 =	vmov s29;
	v13 =	vadd.f32 v13, v33;
	v14 =	vld [tilespmem:$0x1FFF0]  }
0x1ad: {  	[tilespmem:v53+s18+$0x0] =	vst.idx.msk $0xffff, v49;
	v11 =	vshrl.u32 v11, $0x3;
	v15 =	vshrl.u32 v15, $0x3;
	v49 =	vadd.f32 v24, v36;
	v24 =	vld [tilespmem:$0x1FF20]  }
0x1ae: {  	[tilespmem:v5+s18+$0x0] =	vst.idx.msk $0xffff, v13;
	v13 =	vshrl.u32 v19, $0x3;
	v19 =	vld [tilespmem:$0x1FEE0];
	v10 =	vadd.f32 v21, v34;
	v21 =	vadd.f32 v62, v36  }
0x1af: {  	v2 =	vshll.u32 v11, v1;
	v11 =	vshrl.u32 v20, $0x3;
	v15 =	vshll.u32 v15, v1;
	v5 =	vld [tilespmem:s28+$0xFFFFFF00]  }
0x1b0: {  	v2 =	vbroadcast v2, $0x0;
	v6 =	vshll.u32 v11, v1;
	v11 =	vld [tilespmem:s24+$0x20];
	[tilespmem:v0+s18+$0x0] =	vst.idx.msk $0xffff, v21;
	v0 =	vbroadcast v15, $0x0  }
0x1b1: {  	v37 =	vmov v39;
	[tilespmem:v22+s18+$0x0] =	vst.idx.msk $0xffff, v61;
	v17 =	vadd.f32 v17, v35;
	v60 =	vld [tilespmem:$0x1FFC0]  }
0x1b2: {  	v39 =	vbroadcast v9, $0x0;
	[tilespmem:v55+s18+$0x0] =	vst.idx.msk $0xffff, v48;
	v9 =	vld [tilespmem:s28+$0x40];
	v14 =	vadd.s32 v14, v2;
	v24 =	vadd.s32 v24, v0  }
0x1b3: {  	[tilespmem:v47+s18+$0x0] =	vst.idx.msk $0xffff, v17;
	v12 =	vadd.f32 v12, v34;
	v47 =	vmov v24;
	v24 =	vld [tilespmem:$0x1FE50]  }
0x1b4: {  	v62 =	vld [tilespmem:$0x1FF00];
	[tilespmem:v4+s18+$0x0] =	vst.idx.msk $0xffff, v10  }
0x1b5: {  	v55 =	vld [tilespmem:s24+$0xFFFFFF10];
	v4 =	vadd.f32 v18, v36;
	[tilespmem:v63+s18+$0x0] =	vst.idx.msk $0xffff, v12  }
0x1b6: {  	s25 =	sadd.s32 $0x6, s3;
	s3 =	sadd.s32 $0x3, s3;
	v19 =	vadd.s32 v19, v39;
	v25 =	vld [tilespmem:s24+$0xFFFFFF70]  }
0x1b7: {  	v59 =	vmov s3;
	v57 =	vadd.s32 v7, v44;
	[tilespmem:v14+s18+$0x0] =	vst.idx.msk $0xffff, v4;
	v14 =	vld [tilespmem:$0x1FE40]  }
0x1b8: {  	v16 =	vadd.f32 v16, v35;
	v21 =	vadd.s32 v60, v2;
	v60 =	vadd.s32 v24, v42;
	v42 =	vmovc v0;
	v0 =	vld [tilespmem:$0x1FFE0]  }
0x1b9: {  	v7 =	vld [tilespmem:$0x1FFB0];
	v22 =	vshrl.u32 v59, $0x3;
	v23 =	vadd.f32 v23, v36;
	v5 =	vadd.f32 v5, v36  }
0x1ba: {  	v61 =	vld [tilespmem:$0x1FED0];
	v22 =	vshll.u32 v22, v1;
	v13 =	vshll.u32 v13, v1;
	[tilespmem:v58+s18+$0x0] =	vst.idx.msk $0xffff, v16  }
0x1bb: {  	v13 =	vbroadcast v13, $0x0;
	v12 =	vld [tilespmem:s24+$0xFFFFFFB0];
	v48 =	vmov v5;
	v5 =	vbroadcast v22, $0x0;
	[tilespmem:v19+s18+$0x0] =	vst.idx.msk $0xffff, v23  }
0x1bc: {  	v16 =	vld [tilespmem:s24+$0xD0];
	v23 =	vadd.s32 v62, v3;
	v62 =	vadd.f32 v9, v36;
	v9 =	vadd.f32 v55, v35  }
0x1bd: {  	v22 =	vadd.s32 v14, v40;
	v14 =	vld [tilespmem:s28+$0xFFFFFF50];
	v55 =	vadd.s32 v0, v13;
	v0 =	vadd.f32 v25, v33  }
0x1be: {  	v7 =	vadd.s32 v7, v40;
	v40 =	vmov v3;
	v3 =	vld [tilespmem:$0x1FEB0]  }
0x1bf: {  	v18 =	vmov s25;
	[tilespmem:v38+s18+$0x0] =	vst.idx.msk $0xffff, v0;
	v0 =	vld [tilespmem:$0x1FF40]  }
0x1c0: {  	v18 =	vshrl.u32 v18, $0x3  }
0x1c1: {  	v10 =	vld [tilespmem:s28+$0xFFFFFFC0];
	v18 =	vshll.u32 v18, v1;
	v16 =	vadd.f32 v16, v35  }
0x1c2: {  	v20 =	vadd.s32 v61, v2;
	v61 =	vld [tilespmem:$0x1FE60];
	v18 =	vbroadcast v18, $0x0  }
0x1c3: {  	[tilespmem:v56+s18+$0x0] =	vst.idx.msk $0xffff, v16;
	v16 =	vadd.s32 v3, v5;
	v3 =	vld [tilespmem:$0x1FE20]  }
0x1c4: {  	v11 =	vadd.f32 v11, v34;
	v58 =	vadd.s32 v0, v18;
	v0 =	vld [tilespmem:$0x1FE30]  }
0x1c5: {  	v15 =	vld [tilespmem:s24+$0xA0]  }
0x1c6: {  	v19 =	vld [tilespmem:s28+$0x10];
	[tilespmem:v7+s18+$0x0] =	vst.idx.msk $0xffff, v11  }
0x1c7: {  	v11 =	vld [tilespmem:s24+$0x30]  }
0x1c8: {  	v17 =	vld [tilespmem:s24+$0xE0]  }
0x1c9: {  	[tilespmem:v54+s18+$0x0] =	vst.idx.msk $0xffff, v9;
	v56 =	vadd.s32 v3, v5;
	v9 =	vadd.s32 v0, v43;
	v43 =	vmov v5;
	v5 =	vld [tilespmem:$0x1FE80];
	_ =	sdelay $0x2  }
0x1ca: {  	v4 =	vadd.f32 v10, v36;
	v10 =	vld [tilespmem:s24+$0xFFFFFFE0]  }
0x1cb: {  	v59 =	vadd.s32 v61, v18;
	v61 =	vadd.f32 v12, v33;
	v12 =	vadd.f32 v15, v34  }
0x1cc: {  	v15 =	vadd.f32 v17, v34;
	v17 =	vadd.f32 v11, v33;
	v11 =	vadd.s32 v5, v45;
	v5 =	vld [tilespmem:$0x1FF70];
	_ =	sdelay $0x1  }
0x1cd: {  	v6 =	vbroadcast v6, $0x0  }
0x1ce: {  	v7 =	vld [tilespmem:s24+$0x60];
	v10 =	vadd.f32 v10, v34;
	[tilespmem:v16+s18+$0x0] =	vst.idx.msk $0xffff, v4  }
0x1cf: {  	v16 =	vld [tilespmem:s28+$0xFFFFFFD0];
	v45 =	vmov v6  }
0x1d0: {  	[tilespmem:v46+s18+$0x0] =	vst.idx.msk $0xffff, v10;
	v46 =	vmov v56;
	v56 =	vadd.s32 v5, v45;
	v5 =	vld [tilespmem:$0x1FE70];
	_ =	sdelay $0x2  }
0x1d1: {  	v63 =	vld [tilespmem:$0x1FF60]  }
0x1d2: {  	v7 =	vadd.f32 v7, v34;
	v24 =	vld [tilespmem:s28+$0xFFFFFF90]  }
0x1d3: {  	v10 =	vadd.s32 v5, v41;
	v5 =	vld [tilespmem:$0x1FE90]  }
0x1d4: {  	[tilespmem:v50+s18+$0x0] =	vst.idx.msk $0xffff, v7;
	v7 =	vld [tilespmem:$0x1FFD0]  }
0x1d5: {  	v4 =	vld [tilespmem:s24+$0xFFFFFF20]  }
0x1d6: {  	[tilespmem:v52+s18+$0x0] =	vst.idx.msk $0xffff, v15;
	v3 =	vld [tilespmem:$0x1FEA0]  }
0x1d7: {  	v8 =	vadd.f32 v8, v36;
	v53 =	vadd.s32 v63, v6;
	v38 =	vmov v20;
	v20 =	vld [tilespmem:s24+$0xF0]  }
0x1d8: {  	v19 =	vadd.f32 v19, v35;
	[tilespmem:v51+s18+$0x0] =	vst.idx.msk $0xffff, v12;
	v0 =	vld [tilespmem:$0x1FEC0];
	v5 =	vadd.s32 v5, v44;
	v44 =	vmov v13  }
0x1d9: {  	p0 =	slt.u32 s26, $0x78;
	[tilespmem:v22+s18+$0x0] =	vst.idx.msk $0xffff, v17;
	v25 =	vadd.f32 v14, v35;
	v54 =	vadd.s32 v7, v44;
	v7 =	vld [tilespmem:$0x1FF90]  }
.Ltmp2:
0x1da: {  	v50 =	vadd.s32 v28, v42;
	[tilespmem:v23+s18+$0x0] =	vst.idx.msk $0xffff, v19;
	v4 =	vadd.f32 v4, v34;
	(pc) =	sbr.rel @p0 .LBB2_7-.Ltmp2, $4  }
0x1db: {  	v12 =	vld [tilespmem:s24+$0xB0];
	v14 =	vadd.f32 v24, v35;
	[tilespmem:v21+s18+$0x0] =	vst.idx.msk $0xffff, v25;
	v3 =	vadd.s32 v3, v39  }
0x1dc: {  	v15 =	vld [tilespmem:s24+$0xFFFFFFF0];
	v17 =	vadd.f32 v20, v33;
	[tilespmem:v57+s18+$0x0] =	vst.idx.msk $0xffff, v4;
	v4 =	vadd.s32 v30, v39  }
0x1dd: {  	v0 =	vadd.s32 v0, v43;
	v6 =	vadd.f32 v16, v35;
	v16 =	vadd.s32 v27, v42;
	v41 =	vmovc v18;
	v13 =	vld [tilespmem:s24+$0xFFFFFF30]  }
0x1de: {  	s26 =	sadd.s32 $0x8, s26;
	v52 =	vadd.s32 v29, v45;
	v51 =	vadd.s32 v32, v41;
	v63 =	vadd.s32 v7, v2;
	v2 =	vld [tilespmem:s24+$0x70];
	s24 =	smov.u32 s28;
	s28 =	sadd.s32 $0x200, s28  }
0x1df: {  	_ = 	snop  }
0x1e0: {  	v19 =	vld [tilespmem:$0x1FF90]  }
0x1e1: {  	v20 =	vld [tilespmem:$0x1FFC0]  }
0x1e2: {  	v18 =	vld [tilespmem:$0x1FFF0]  }
0x1e3: {  	v21 =	vmov v30;
	v30 =	vld [tilespmem:$0x1FFD0];
	[tilespmem:v59+s18+$0x0] =	vst.idx.msk $0xffff, v8  }
0x1e4: {  	[tilespmem:v3+s18+$0x0] =	vst.idx.msk $0xffff, v14  }
0x1e5: {  	[tilespmem:v53+s18+$0x0] =	vst.idx.msk $0xffff, v49  }
0x1e6: {  	[tilespmem:v11+s18+$0x0] =	vst.idx.msk $0xffff, v17  }
0x1e7: {  	v53 =	vadd.s32 v31, v37;
	[tilespmem:v16+s18+$0x0] =	vst.idx.msk $0xffff, v62;
	v7 =	vld [tilespmem:s24+$0xD0]  }
0x1e8: {  	[tilespmem:v55+s18+$0x0] =	vst.idx.msk $0xffff, v48;
	v57 =	vadd.f32 v12, v33  }
0x1e9: {  	[tilespmem:v0+s18+$0x0] =	vst.idx.msk $0xffff, v6;
	v3 =	vadd.f32 v15, v33  }
0x1ea: {  	[tilespmem:v10+s18+$0x0] =	vst.idx.msk $0xffff, v57  }
0x1eb: {  	[tilespmem:v9+s18+$0x0] =	vst.idx.msk $0xffff, v3;
	v2 =	vadd.f32 v2, v33  }
0x1ec: {  	[tilespmem:v53+s18+$0x0] =	vst.idx.msk $0xffff, v61;
	v7 =	vadd.f32 v7, v35  }
0x1ed: {  	v3 =	vld [tilespmem:s24+$0x90];
	[tilespmem:v60+s18+$0x0] =	vst.idx.msk $0xffff, v2  }
0x1ee: {  	v59 =	vld [tilespmem:s24+$0x50];
	[tilespmem:v56+s18+$0x0] =	vst.idx.msk $0xffff, v7  }
0x1ef: {  	v29 =	vld [tilespmem:$0x1FFB0]  }
0x1f0: {  	v2 =	vld [tilespmem:s24+$0xFFFFFF10]  }
0x1f1: {  	v60 =	vld [tilespmem:s24+$0xFFFFFF60]  }
0x1f2: {  	v62 =	vld [tilespmem:s24+$0x20];
	v3 =	vadd.f32 v3, v35  }
0x1f3: {  	v0 =	vadd.f32 v59, v35;
	v12 =	vld [tilespmem:s24+$0xE0]  }
0x1f4: {  	v15 =	vadd.f32 v13, v33;
	[tilespmem:v58+s18+$0x0] =	vst.idx.msk $0xffff, v3;
	v3 =	vld [tilespmem:s24+$0xFFFFFFE0];
	v14 =	vadd.s32 v29, v40  }
0x1f5: {  	[tilespmem:v47+s18+$0x0] =	vst.idx.msk $0xffff, v0;
	v0 =	vadd.f32 v2, v35  }
0x1f6: {  	[tilespmem:v5+s18+$0x0] =	vst.idx.msk $0xffff, v15;
	v2 =	vadd.f32 v60, v34  }
0x1f7: {  	v8 =	vadd.f32 v62, v34;
	[tilespmem:v54+s18+$0x0] =	vst.idx.msk $0xffff, v0  }
0x1f8: {  	v36 =	vld [tilespmem:s24+$0x60];
	[tilespmem:v63+s18+$0x0] =	vst.idx.msk $0xffff, v2;
	v2 =	vadd.f32 v12, v34  }
0x1f9: {  	v32 =	vld [tilespmem:s24+$0xA0];
	v3 =	vadd.f32 v3, v34;
	[tilespmem:v14+s18+$0x0] =	vst.idx.msk $0xffff, v8  }
0x1fa: {  	v53 =	vld [tilespmem:$0x1FFA0];
	[tilespmem:v52+s18+$0x0] =	vst.idx.msk $0xffff, v2  }
0x1fb: {  	v37 =	vld [tilespmem:s24+$0xFFFFFFA0];
	[tilespmem:v46+s18+$0x0] =	vst.idx.msk $0xffff, v3  }
0x1fc: {  	v14 =	vld [tilespmem:$0x1FE40]  }
0x1fd: {  	v0 =	vld [tilespmem:s24+$0xFFFFFF20]  }
0x1fe: {  	v47 =	vld [tilespmem:s24+$0xFFFFFF70];
	v49 =	vadd.f32 v32, v34  }
0x1ff: {  	v8 =	vld [tilespmem:s24+$0x30];
	v2 =	vadd.f32 v36, v34;
	v48 =	vadd.s32 v53, v44  }
0x200: {  	v52 =	vadd.f32 v37, v34;
	v3 =	vld [tilespmem:s24+$0xF0];
	[tilespmem:v51+s18+$0x0] =	vst.idx.msk $0xffff, v49  }
0x201: {  	v10 =	vld [tilespmem:$0x1FE80];
	[tilespmem:v50+s18+$0x0] =	vst.idx.msk $0xffff, v2;
	v54 =	vadd.s32 v14, v40  }
0x202: {  	v0 =	vadd.f32 v0, v34;
	v55 =	vld [tilespmem:s24+$0xFFFFFFF0];
	[tilespmem:v4+s18+$0x0] =	vst.idx.msk $0xffff, v52  }
0x203: {  	v56 =	vadd.f32 v47, v33;
	v5 =	vld [tilespmem:$0x1FE30]  }
0x204: {  	v59 =	vld [tilespmem:$0x1FE70];
	v8 =	vadd.f32 v8, v33;
	[tilespmem:v48+s18+$0x0] =	vst.idx.msk $0xffff, v0  }
0x205: {  	v0 =	vld [tilespmem:$0x1FE50];
	[tilespmem:v38+s18+$0x0] =	vst.idx.msk $0xffff, v56  }
0x206: {  	v58 =	vld [tilespmem:s24+$0xFFFFFFB0];
	[tilespmem:v54+s18+$0x0] =	vst.idx.msk $0xffff, v8  }
0x207: {  	v10 =	vadd.s32 v10, v45;
	v9 =	vld [tilespmem:$0x1FE90]  }
0x208: {  	v62 =	vadd.s32 v31, v39;
	v2 =	vld [tilespmem:s24+$0xB0]  }
0x209: {  	v57 =	vld [tilespmem:s24+$0x70];
	v5 =	vadd.s32 v5, v43  }
0x20a: {  	v3 =	vadd.f32 v3, v33;
	v13 =	vadd.s32 v59, v41;
	v60 =	vld [tilespmem:s24+$0xFFFFFF30]  }
0x20b: {  	v63 =	vadd.f32 v58, v33;
	v0 =	vadd.s32 v0, v42  }
0x20c: {  	v61 =	vadd.f32 v55, v33;
	[tilespmem:v10+s18+$0x0] =	vst.idx.msk $0xffff, v3;
	v9 =	vadd.s32 v9, v44  }
0x20d: {  	v2 =	vadd.f32 v2, v33;
	[tilespmem:v62+s18+$0x0] =	vst.idx.msk $0xffff, v63  }
0x20e: {  	s0 =	sshll.u32 s23, $0x12;
	v3 =	vadd.f32 v57, v33;
	[tilespmem:v5+s18+$0x0] =	vst.idx.msk $0xffff, v61  }
0x20f: {  	s0 =	sor.u32 s5, s0;
	[tilespmem:v13+s18+$0x0] =	vst.idx.msk $0xffff, v2;
	v2 =	vadd.f32 v60, v33  }
0x210: {  	s0 =	sshrl.u32 s0, $0x3;
	[tilespmem:v0+s18+$0x0] =	vst.idx.msk $0xffff, v3  }
0x211: {  	s3 =	simm.s32 $0xF800;
	s0 =	sadd.s32 s1, s0;
	[tilespmem:v9+s18+$0x0] =	vst.idx.msk $0xffff, v2  }
0x212: {  	[hbm4b:s0+s2] =	stream.linear.scatter [tilespmem:s3], [sflag:$0x3], $0x80, $0x38;
	[tilespmem:$0x11A00] =	vst v63  }
0x213: {  	s29 =	simm.s32 $0xF888;
	s9 =	sadd.s32 $0x10, s0  }
0x214: {  	[hbm4b:s9+s2] =	stream.linear.scatter [tilespmem:s29], [sflag:$0x3], $0x80, $0x38;
	[tilespmem:$0x11A00] =	vst v63  }
0x215: {  	s30 =	simm.s32 $0xF910;
	s26 =	simm.s32 $0xFAA8;
	s31 =	sadd.s32 $0x20, s0  }
0x216: {  	[hbm4b:s31+s2] =	stream.linear.scatter [tilespmem:s30], [sflag:$0x3], $0x80, $0x38;
	[tilespmem:$0x11A00] =	vst v63  }
0x217: {  	s23 =	sadd.s32 $0x30, s0;
	s25 =	sadd.s32 $0x40, s0;
	s9 =	simm.s32 $0xF998  }
0x218: {  	[hbm4b:s23+s2] =	stream.linear.scatter [tilespmem:s9], [sflag:$0x3], $0x80, $0x38;
	[tilespmem:$0x11A00] =	vst v63  }
0x219: {  	s28 =	sadd.s32 $0x70, s0;
	s24 =	simm.s32 $0xFA20;
	s29 =	sadd.s32 $0x50, s0  }
0x21a: {  	[hbm4b:s25+s2] =	stream.linear.scatter [tilespmem:s24], [sflag:$0x3], $0x80, $0x38;
	[tilespmem:$0x11A00] =	vst v63  }
0x21b: {  	s30 =	simm.s32 $0xFB30;
	s31 =	sadd.s32 $0x60, s0;
	s23 =	simm.s32 $0x440  }
0x21c: {  	[hbm4b:s29+s2] =	stream.linear.scatter [tilespmem:s26], [sflag:$0x3], $0x80, $0x38;
	[tilespmem:$0x11A00] =	vst v63  }
0x21d: {  	s25 =	simm.s32 $0x2200;
	s24 =	sadd.s32 $0x1000, s0;
	s26 =	simm.s32 $0xFBB8  }
0x21e: {  	v22 =	vmov v31;
	v58 =	vmov v29;
	[hbm4b:s31+s2] =	stream.linear.scatter [tilespmem:s30], [sflag:$0x3], $0x80, $0x38;
	[tilespmem:$0x11A00] =	vst v63  }
.LBB2_9:
0x21f: {  	[hbm4b:s28+s2] =	stream.linear.scatter [tilespmem:s26], [sflag:$0x3], $0x80, $0x38;
	[tilespmem:$0x11A00] =	vst v63  }
0x220: {  	s0 =	smov.u32 s23;
	s3 =	smov.u32 s25  }
0x221: {  	s23 =	sshra.s32 s3, $0x2;
	s3 =	sadd.s32 $0x1100, s25;
	s9 =	sadd.s32 $0xF800, s0  }
0x222: {  	[hbm4b:s24+s2] =	stream.linear.scatter [tilespmem:s9], [sflag:$0x3], $0x80, $0x38;
	[tilespmem:$0x11A00] =	vst v63  }
0x223: {  	p0 =	sne.s32 s25, $0x7700;
	s25 =	sadd.s32 $0x10, s24;
	s9 =	sadd.s32 $0xF888, s0  }
0x224: {  	[hbm4b:s25+s2] =	stream.linear.scatter [tilespmem:s9], [sflag:$0x3], $0x80, $0x38;
	[tilespmem:$0x11A00] =	vst v63  }
0x225: {  	s9 =	sadd.s32 $0xF910, s0;
	s25 =	sadd.s32 $0x20, s24  }
0x226: {  	[hbm4b:s25+s2] =	stream.linear.scatter [tilespmem:s9], [sflag:$0x3], $0x80, $0x38;
	[tilespmem:$0x11A00] =	vst v63  }
0x227: {  	s9 =	sadd.s32 $0xF998, s0;
	s25 =	sadd.s32 $0x30, s24  }
0x228: {  	[hbm4b:s25+s2] =	stream.linear.scatter [tilespmem:s9], [sflag:$0x3], $0x80, $0x38;
	[tilespmem:$0x11A00] =	vst v63  }
0x229: {  	s9 =	sadd.s32 $0xFA20, s0;
	s25 =	sadd.s32 $0x40, s24  }
0x22a: {  	[hbm4b:s25+s2] =	stream.linear.scatter [tilespmem:s9], [sflag:$0x3], $0x80, $0x38;
	[tilespmem:$0x11A00] =	vst v63  }
.Ltmp3:
0x22b: {  	s9 =	sadd.s32 $0xFAA8, s0;
	s25 =	sadd.s32 $0x50, s24;
	(pc) =	sbr.rel @p0 .LBB2_9-.Ltmp3, $4  }
0x22c: {  	[hbm4b:s25+s2] =	stream.linear.scatter [tilespmem:s9], [sflag:$0x3], $0x80, $0x38;
	[tilespmem:$0x11A00] =	vst v63  }
0x22d: {  	s28 =	sadd.s32 $0x70, s24;
	s9 =	sadd.s32 $0xFB30, s0;
	s25 =	sadd.s32 $0x60, s24  }
0x22e: {  	[hbm4b:s25+s2] =	stream.linear.scatter [tilespmem:s9], [sflag:$0x3], $0x80, $0x38;
	[tilespmem:$0x11A00] =	vst v63  }
0x22f: {  	s26 =	sadd.s32 $0xFBB8, s0;
	s24 =	sadd.s32 $0x1000, s24;
	s25 =	smov.u32 s3  }
0x230: {  	[hbm4b:s28+s2] =	stream.linear.scatter [tilespmem:s26], [sflag:$0x3], $0x80, $0x38;
	[tilespmem:$0x11A00] =	vst v63  }
0x231: {  	s0 =	sadd.s32 $0xF800, s23  }
0x232: {  	[hbm4b:s24+s2] =	stream.linear.scatter [tilespmem:s0], [sflag:$0x3], $0x80, $0x38;
	[tilespmem:$0x11A00] =	vst v63  }
0x233: {  	s26 =	sadd.s32 $0xF888, s23;
	s3 =	sadd.s32 $0x10, s24;
	v23 =	vld [tilespmem:$0x1FED0]  }
0x234: {  	v24 =	vld [tilespmem:$0x1FEE0];
	[hbm4b:s3+s2] =	stream.linear.scatter [tilespmem:s26], [sflag:$0x3], $0x80, $0x38  }
0x235: {  	s28 =	sadd.s32 $0xF910, s23;
	s29 =	sadd.s32 $0x20, s24;
	v2 =	vmov v19;
	v19 =	vld [tilespmem:$0x1FEA0]  }
0x236: {  	v15 =	vld [tilespmem:$0x1FEB0];
	[hbm4b:s29+s2] =	stream.linear.scatter [tilespmem:s28], [sflag:$0x3], $0x80, $0x38  }
0x237: {  	s30 =	sadd.s32 $0xF998, s23;
	s31 =	sadd.s32 $0x30, s24;
	v39 =	vmov v20;
	v20 =	vld [tilespmem:$0x1FEC0]  }
0x238: {  	v31 =	vld [tilespmem:$0x1FEF0];
	[hbm4b:s31+s2] =	stream.linear.scatter [tilespmem:s30], [sflag:$0x3], $0x80, $0x38  }
0x239: {  	s9 =	sadd.s32 $0x40, s24;
	s22 =	sadd.s32 $0x1, s22;
	v40 =	vmov v30;
	v30 =	vmov v18;
	v18 =	vld [tilespmem:$0x1FF00];
	s3 =	sadd.s32 $0xFA20, s23  }
0x23a: {  	v25 =	vmov v26;
	v26 =	vld [tilespmem:$0x1FF10];
	[hbm4b:s9+s2] =	stream.linear.scatter [tilespmem:s3], [sflag:$0x3], $0x80, $0x38  }
0x23b: {  	s25 =	sadd.s32 $0xFAA8, s23;
	v27 =	vld [tilespmem:$0x1FF20];
	p0 =	sne.s32 s22, $0x64;
	s26 =	sadd.s32 $0x50, s24  }
0x23c: {  	v32 =	vld [tilespmem:$0x1FF30];
	[hbm4b:s26+s2] =	stream.linear.scatter [tilespmem:s25], [sflag:$0x3], $0x80, $0x38  }
.Ltmp4:
0x23d: {  	v49 =	vld [tilespmem:$0x1FF40];
	(pc) =	sbr.rel @p0 .LBB2_2-.Ltmp4, $4  }
0x23e: {  	v51 =	vld [tilespmem:$0x1FF50];
	s28 =	sadd.s32 $0xFB30, s23;
	s29 =	sadd.s32 $0x60, s24  }
0x23f: {  	v38 =	vld [tilespmem:$0x1FF60];
	[hbm4b:s29+s2] =	stream.linear.scatter [tilespmem:s28], [sflag:$0x3], $0x80, $0x38  }
0x240: {  	v57 =	vld [tilespmem:$0x1FF70];
	s30 =	sadd.s32 $0xFBB8, s23;
	s31 =	sadd.s32 $0x70, s24  }
0x241: {  	v60 =	vld [tilespmem:$0x1FF80];
	[hbm4b:s31+s2] =	stream.linear.scatter [tilespmem:s30], [sflag:$0x3], $0x80, $0x38  }
0x242: {  	s21 =	sadd.s32 $0x1, s21  }
0x243: {  	_ =	swait.ge [sflag:s19], $0x2000;
	p0 =	sne.s32 s21, s8  }
.Ltmp5:
0x244: {  	[sflag:s19] =	ssyncset.done $0x0;
	(pc) =	sbr.rel @p0 .LBB2_1-.Ltmp5, $4  }
0x245: {  	[sflag:s19] =	ssyncadd.s32 $0xFFFFE000  }
0x246: {  	_ =	swait.ge [sflag:s20], $0x2000  }
0x247: {  	[sflag:s20] =	ssyncset.done $0x0  }
0x248: {  	[sflag:s20] =	ssyncadd.s32 $0xFFFFE000  }
0x249: {  	_ =	sfence.sel $0x180000  }
0x24a: {  	[bflag:$0x0] =	sbarrier.arrive $0xFFFF  }
0x24b: {  	_ =	strace $0x90000047  }
0x24c: {  	s0 =	stileid.u32;
	[bflag:$0x2] =	sbarrier.arrive $0xFFFF  }
0x24d: {  	p0 =	sne.s32 s0, $0x0;
	s0 =	rddreg [dreg:$0x3]  }
0x24e: {  	s0 =	sadd.s32 @!p0 $0x100000, s0  }
0x24f: {  	[sflag:s0] =	ssyncadd.tile.s32 @!p0 $0x1;
	_ =	shalt  }
.Lfunc_end2:
_tile_overlayer_lowered:
.L_overlay_start_2:
0x250: {  	(tag) =	ssettag $0x2  }
0x251: {  	s0 =	rddreg [dreg:$0x0];
	s2 =	stileid.u32  }
0x252: {  	s1 =	rddreg [dreg:$0x1];
	p0 =	sne.s32 s2, $0x0  }
0x253: {  	s3 =	rddreg [dreg:$0x2];
	[bflag:$0x3] =	sbarrier.arrive $0xFFFF;
	s2 =	simm.s32 @!p0 $0x1C04  }
0x254: {  	[timem:s3], [sflag:s2] =	dma.local @!p0 [hbm:s0], s1  }
0x255: {  	s0 =	simm.s32 @!p0 $0x4  }
0x256: {  	_ =	swait.ge @!p0 [sflag:s0], s1  }
0x257: {  	s1 =	ssub.s32 @!p0 $0x0, s1;
	[sflag:s0] =	ssyncset.done @!p0 $0x0  }
0x258: {  	[sflag:s0] =	ssyncadd.s32 @!p0 s1  }
0x259: {  	[bflag:$0x3] =	sbarrier.arrive $0xFFFF  }
0x25a: {  	_ =	shalt  }

</sc_bundles>
